<compile_context>
chip_gen: v7x
topology: tpu7x:2x2x1
jax: 0.10.2.dev20260603
libtpu: 0.0.44.dev20260713+nightly
codegen_flags: <defaults>
</compile_context>

<pallas_src>
import functools

import jax
import jax.numpy as jnp
from jax import lax
from jax.experimental import pallas as pl
from jax.experimental.pallas import tpu as pltpu
from jax.experimental.pallas import tpu_sc as plsc

N = 10000
E = 320000
D_IN = 128
D_H = 64

NC = 2
NS = 16
NW = NC * NS

NPAD = 10240
ROWS_PER_TILE = NPAD // NS
CHUNK = 128
EPT = (E + NW - 1) // NW
EPT = ((EPT + CHUNK - 1) // CHUNK) * CHUNK
NCHUNK_PER_TILE = EPT // CHUNK
E_PAD = EPT * NW

_mesh = plsc.VectorSubcoreMesh(core_axis_name="c", subcore_axis_name="s")
_sc_params = pltpu.CompilerParams(
    needs_layout_passes=False, use_tc_tiling_on_sc=False)


def _hist_body(src_hbm, dst_hbm, degs_hbm,
               sidx_v, didx_v, hs_v, hd_v, tmp_v, accs_v, accd_v,
               sh_s):
    cid = lax.axis_index("c")
    sid = lax.axis_index("s")
    wid = cid * NS + sid
    ebase = pl.multiple_of(wid * EPT, EPT)

    pltpu.sync_copy(src_hbm.at[pl.ds(ebase, EPT)], sidx_v)
    pltpu.sync_copy(dst_hbm.at[pl.ds(ebase, EPT)], didx_v)

    zeros = jnp.zeros((16,), jnp.float32)
    ones = jnp.ones((16,), jnp.float32)

    def zero_body(i, _):
        hs_v[pl.ds(i * 16, 16)] = zeros
        hd_v[pl.ds(i * 16, 16)] = zeros
        return 0
    lax.fori_loop(0, NPAD // 16, zero_body, 0)

    def scat_body(i, _):
        vs = sidx_v[pl.ds(i * 16, 16)]
        vd = didx_v[pl.ds(i * 16, 16)]
        plsc.addupdate_scatter(hs_v, [vs], ones)
        plsc.addupdate_scatter(hd_v, [vd], ones)
        return 0
    lax.fori_loop(0, EPT // 16, scat_body, 0)

    off = pl.multiple_of(sid * ROWS_PER_TILE, ROWS_PER_TILE)

    def reduce_into(h_v, acc_v):
        pltpu.sync_copy(h_v, sh_s.at[sid])
        plsc.subcore_barrier()
        pltpu.sync_copy(sh_s.at[0, pl.ds(off, ROWS_PER_TILE)], acc_v)

        def red_body(t, _):
            pltpu.sync_copy(sh_s.at[t, pl.ds(off, ROWS_PER_TILE)], tmp_v)

            def add_k(k, _):
                sl = pl.ds(k * 16, 16)
                acc_v[sl] = acc_v[sl] + tmp_v[sl]
                return 0
            lax.fori_loop(0, ROWS_PER_TILE // 16, add_k, 0)
            return 0
        lax.fori_loop(1, NS, red_body, 0)
        plsc.subcore_barrier()

    reduce_into(hs_v, accs_v)
    reduce_into(hd_v, accd_v)

    pltpu.sync_copy(accs_v, degs_hbm.at[0, cid, pl.ds(off, ROWS_PER_TILE)])
    pltpu.sync_copy(accd_v, degs_hbm.at[1, cid, pl.ds(off, ROWS_PER_TILE)])


_hist_kernel = pl.kernel(
    _hist_body,
    out_type=jax.ShapeDtypeStruct((2, NC, NPAD), jnp.float32),
    mesh=_mesh,
    scratch_types=[
        pltpu.VMEM((EPT,), jnp.int32),
        pltpu.VMEM((EPT,), jnp.int32),
        pltpu.VMEM((NPAD,), jnp.float32),
        pltpu.VMEM((NPAD,), jnp.float32),
        pltpu.VMEM((ROWS_PER_TILE,), jnp.float32),
        pltpu.VMEM((ROWS_PER_TILE,), jnp.float32),
        pltpu.VMEM((ROWS_PER_TILE,), jnp.float32),
        pltpu.VMEM_SHARED((NS, NPAD), jnp.float32),
    ],
    compiler_params=_sc_params,
)


def _agg_body(h_hbm, z_hbm, srcr_hbm, dstr_hbm, aggp_hbm,
              sidx_v, didx_v, rowbuf_a, sh_agg, sh_h,
              sem_g, sem_s):
    cid = lax.axis_index("c")
    sid = lax.axis_index("s")
    wid = cid * NS + sid
    nbase = pl.multiple_of(sid * ROWS_PER_TILE, ROWS_PER_TILE)

    pltpu.sync_copy(z_hbm.at[pl.ds(nbase, ROWS_PER_TILE)],
                    sh_agg.at[pl.ds(nbase, ROWS_PER_TILE)])
    pltpu.sync_copy(h_hbm.at[pl.ds(nbase, ROWS_PER_TILE)],
                    sh_h.at[pl.ds(nbase, ROWS_PER_TILE)])
    pltpu.sync_copy(srcr_hbm.at[wid], sidx_v)
    pltpu.sync_copy(dstr_hbm.at[wid], didx_v)
    plsc.subcore_barrier()

    def gather(j, b):
        pltpu.async_copy(h_hbm.at[sidx_v.at[j]], rowbuf[b], sem_g[b])

    def wait_gather(j, b):
        pltpu.make_async_copy(h_hbm.at[sidx_v.at[j]], rowbuf[b],
                              sem_g[b]).wait()

    def scatter_sync(j, b):
        pltpu.sync_copy(rowbuf[b], sh_agg.at[didx_v.at[j]], add=True)

    buf4 = rowbuf_a

    def slot(j):
        return pl.multiple_of((j % 3) * CHUNK, CHUNK)

    def buf_at(j):
        return buf4.at[pl.ds(slot(j), CHUNK)]

    pltpu.async_copy(sh_h.at[sidx_v.at[0]], buf_at(0), sem_g.at[0])

    def chunk_body(j, _):
        cur = buf_at(j)
        pltpu.make_async_copy(sh_h.at[sidx_v.at[j]], cur,
                              sem_g.at[j % 2]).wait()

        @pl.when(j >= 2)
        def _():
            pltpu.make_async_copy(buf_at(j - 2), sh_agg.at[didx_v.at[j - 2]],
                                  sem_s.at[j % 2]).wait()

        @pl.when(j < NCHUNK_PER_TILE - 1)
        def _():
            pltpu.async_copy(sh_h.at[sidx_v.at[j + 1]], buf_at(j + 1),
                             sem_g.at[(j + 1) % 2])

        pltpu.async_copy(cur, sh_agg.at[didx_v.at[j]], sem_s.at[j % 2],
                         add=True)
        return 0
    lax.fori_loop(0, NCHUNK_PER_TILE, chunk_body, 0)

    jlast = NCHUNK_PER_TILE - 2
    pltpu.make_async_copy(buf_at(jlast), sh_agg.at[didx_v.at[jlast]],
                          sem_s.at[jlast % 2]).wait()
    pltpu.make_async_copy(buf_at(jlast + 1), sh_agg.at[didx_v.at[jlast + 1]],
                          sem_s.at[(jlast + 1) % 2]).wait()

    plsc.subcore_barrier()
    pltpu.sync_copy(sh_agg.at[pl.ds(nbase, ROWS_PER_TILE)],
                    aggp_hbm.at[cid, pl.ds(nbase, ROWS_PER_TILE)])


_agg_kernel = pl.kernel(
    _agg_body,
    out_type=jax.ShapeDtypeStruct((NC, NPAD, D_H), jnp.float32),
    mesh=_mesh,
    scratch_types=[
        pltpu.VMEM((NCHUNK_PER_TILE, CHUNK), jnp.int32),
        pltpu.VMEM((NCHUNK_PER_TILE, CHUNK), jnp.int32),
        pltpu.VMEM((3 * CHUNK, D_H), jnp.float32),
        pltpu.VMEM_SHARED((NPAD, D_H), jnp.float32),
        pltpu.VMEM_SHARED((NPAD, D_H), jnp.float32),
        pltpu.SemaphoreType.DMA((2,)),
        pltpu.SemaphoreType.DMA((2,)),
    ],
    compiler_params=_sc_params,
)


_BLK = 2048
_GRID = NPAD // _BLK


def _norms(degs_ref):
    d = degs_ref[0] + degs_ref[1]
    return jnp.where(d > 0.0, lax.rsqrt(jnp.maximum(d, 1.0)), 0.0)


def _mm1_body(x_ref, w_ref, dsrc_ref, ddst_ref, h1s_ref, nsrc_ref, ndst_ref):
    ns = _norms(dsrc_ref)
    nd = _norms(ddst_ref)
    h = jnp.dot(x_ref[...], w_ref[...], preferred_element_type=jnp.float32)
    h1s_ref[...] = h * ns
    nsrc_ref[...] = ns
    ndst_ref[...] = nd


def _mm1(x_pad, w1, dsrc, ddst):
    return pl.pallas_call(
        _mm1_body,
        grid=(_GRID,),
        in_specs=[
            pl.BlockSpec((_BLK, D_IN), lambda i: (i, 0)),
            pl.BlockSpec((D_IN, D_H), lambda i: (0, 0)),
            pl.BlockSpec((2, _BLK, 1), lambda i: (0, i, 0)),
            pl.BlockSpec((2, _BLK, 1), lambda i: (0, i, 0)),
        ],
        out_specs=[
            pl.BlockSpec((_BLK, D_H), lambda i: (i, 0)),
            pl.BlockSpec((_BLK, 1), lambda i: (i, 0)),
            pl.BlockSpec((_BLK, 1), lambda i: (i, 0)),
        ],
        out_shape=[
            jax.ShapeDtypeStruct((NPAD, D_H), jnp.float32),
            jax.ShapeDtypeStruct((NPAD, 1), jnp.float32),
            jax.ShapeDtypeStruct((NPAD, 1), jnp.float32),
        ],
    )(x_pad, w1, dsrc, ddst)


def _mm2_body(aggp_ref, nsrc_ref, ndst_ref, b_ref, w_ref, h2s_ref):
    agg = aggp_ref[0] + aggp_ref[1]
    b = b_ref[0:1, :]
    z = jnp.maximum(agg * ndst_ref[...] + b, 0.0)
    h2 = jnp.dot(z, w_ref[...], preferred_element_type=jnp.float32)
    h2s_ref[...] = h2 * nsrc_ref[...]


def _mm2(aggp, nsrc, ndst, b1_pad, w2):
    return pl.pallas_call(
        _mm2_body,
        grid=(_GRID,),
        in_specs=[
            pl.BlockSpec((2, _BLK, D_H), lambda i: (0, i, 0)),
            pl.BlockSpec((_BLK, 1), lambda i: (i, 0)),
            pl.BlockSpec((_BLK, 1), lambda i: (i, 0)),
            pl.BlockSpec((8, D_H), lambda i: (0, 0)),
            pl.BlockSpec((D_H, D_H), lambda i: (0, 0)),
        ],
        out_specs=pl.BlockSpec((_BLK, D_H), lambda i: (i, 0)),
        out_shape=jax.ShapeDtypeStruct((NPAD, D_H), jnp.float32),
    )(aggp, nsrc, ndst, b1_pad, w2)


def _final_body(aggp_ref, ndst_ref, b_ref, out_ref):
    agg = aggp_ref[0] + aggp_ref[1]
    b = b_ref[0:1, :]
    out_ref[...] = agg * ndst_ref[...] + b


def _final(aggp, ndst, b2_pad):
    return pl.pallas_call(
        _final_body,
        grid=(_GRID,),
        in_specs=[
            pl.BlockSpec((2, _BLK, D_H), lambda i: (0, i, 0)),
            pl.BlockSpec((_BLK, 1), lambda i: (i, 0)),
            pl.BlockSpec((8, D_H), lambda i: (0, 0)),
        ],
        out_specs=pl.BlockSpec((_BLK, D_H), lambda i: (i, 0)),
        out_shape=jax.ShapeDtypeStruct((NPAD, D_H), jnp.float32),
    )(aggp, ndst, b2_pad)


@jax.jit
def _run(features, edge_index, W1, b1, W2, b2):
    src = edge_index[0]
    dst = edge_index[1]
    pad = jnp.full((E_PAD - E,), N, dtype=jnp.int32)
    src_flat = jnp.concatenate([src, pad])
    dst_flat = jnp.concatenate([dst, pad])
    src_r = src_flat.reshape(NW, NCHUNK_PER_TILE, CHUNK)
    dst_r = dst_flat.reshape(NW, NCHUNK_PER_TILE, CHUNK)

    x_pad = jnp.zeros((NPAD, D_IN), jnp.float32).at[:N].set(features)
    zeros_nd = jnp.zeros((NPAD, D_H), jnp.float32)
    b1_pad = jnp.broadcast_to(b1[None, :], (8, D_H))
    b2_pad = jnp.broadcast_to(b2[None, :], (8, D_H))

    degs = _hist_kernel(src_flat, dst_flat)
    dsrc = degs[0].reshape(NC, NPAD, 1)
    ddst = degs[1].reshape(NC, NPAD, 1)

    h1s, nsrc, ndst = _mm1(x_pad, W1, dsrc, ddst)
    agg1p = _agg_kernel(h1s, zeros_nd, src_r, dst_r)
    h2s = _mm2(agg1p, nsrc, ndst, b1_pad, W2)
    agg2p = _agg_kernel(h2s, zeros_nd, src_r, dst_r)
    out_full = _final(agg2p, ndst, b2_pad)
    return out_full[:N]


def kernel(features, edge_index, W1, b1, W2, b2):
    return _run(features, edge_index, W1, b1, W2, b2)

# --- scband reference (transcript-rebuilt; emitter-appended) ---
"""Pipeline reference for scband-gcnmodel-64493228917351 (READ-ONLY COPY).

The authoritative reference and input builder live on the scoring server;
editing this copy changes nothing except your own understanding.
"""

import jax, jax.numpy as jnp
import numpy as np

N = 10000
E = 320000
D_IN = 128
D_H = 64
D_OUT = 64


def setup_inputs(seed: int = 0) -> dict:
    key = jax.random.key(seed)
    k0, k1, k2, k3 = jax.random.split(key, 4)
    features = jax.random.normal(k0, (N, D_IN), dtype=jnp.float32)
    edge_index = jax.random.randint(k1, (2, E), 0, N, dtype=jnp.int32)
    W1 = jax.random.normal(k2, (D_IN, D_H), dtype=jnp.float32) * (1.0 / np.sqrt(D_IN))
    b1 = jnp.zeros((D_H,), dtype=jnp.float32)
    W2 = jax.random.normal(k3, (D_H, D_OUT), dtype=jnp.float32) * (1.0 / np.sqrt(D_H))
    b2 = jnp.zeros((D_OUT,), dtype=jnp.float32)
    return {"features": features, "edge_index": edge_index, "W1": W1, "b1": b1, "W2": W2, "b2": b2}


def _gcn_layer(x, W, b, src, dst, n):
    # DGL GraphConv with norm='both': out = D_in^{-1/2} A D_out^{-1/2} X W + b
    ones = jnp.ones((src.shape[0],), dtype=jnp.float32)
    deg_out = jax.ops.segment_sum(ones, src, num_segments=n)
    deg_in = jax.ops.segment_sum(ones, dst, num_segments=n)
    norm_src = jnp.where(deg_out > 0, jax.lax.rsqrt(jnp.maximum(deg_out, 1.0)), 0.0)
    norm_dst = jnp.where(deg_in > 0, jax.lax.rsqrt(jnp.maximum(deg_in, 1.0)), 0.0)
    h = x @ W
    m = h[src] * norm_src[src][:, None]  # gather + scale
    agg = jax.ops.segment_sum(m, dst, num_segments=n)  # scatter-add
    return agg * norm_dst[:, None] + b


def reference(features, edge_index, W1, b1, W2, b2):
    src = edge_index[0]
    dst = edge_index[1]
    n = features.shape[0]
    h = _gcn_layer(features, W1, b1, src, dst, n)
    h = jax.nn.relu(h)
    out = _gcn_layer(h, W2, b2, src, dst, n)
    return out

if __name__ == "__main__":
    import jax
    _d = setup_inputs()
    print(jax.jit(kernel)(*tuple(_d.values())))

</pallas_src>

<mosaic_0001>
#map = affine_map<(d0, d1) -> (0)>
#map1 = affine_map<(d0, d1) -> (0, 0, 0)>
module attributes {stable_mosaic.version = 14 : i64} {
  func.func @_hist_body(%arg0: i32, %arg1: i32, %arg2: memref<323584xi32, #tpu.memory_space<hbm>>, %arg3: memref<323584xi32, #tpu.memory_space<hbm>>, %arg4: memref<2x2x10240xf32, #tpu.memory_space<hbm>>, %arg5: memref<10112xi32, #tpu.memory_space<vmem>>, %arg6: memref<10112xi32, #tpu.memory_space<vmem>>, %arg7: memref<10240xf32, #tpu.memory_space<vmem>>, %arg8: memref<10240xf32, #tpu.memory_space<vmem>>, %arg9: memref<640xf32, #tpu.memory_space<vmem>>, %arg10: memref<640xf32, #tpu.memory_space<vmem>>, %arg11: memref<640xf32, #tpu.memory_space<vmem>>, %arg12: memref<16x10240xf32, #tpu.memory_space<vmem_shared>>) attributes {dimension_semantics = [#tpu.dimension_semantics<core_parallel>, #tpu.dimension_semantics<subcore_parallel>], iteration_bounds = array<i64: 2, 16>, scalar_prefetch = 0 : i64, scratch_operands = 8 : i64, tpu.core_type = #tpu.core_type<sc_vector_subcore>, window_params = [{transform_indices = #map}, {transform_indices = #map}, {transform_indices = #map1}]} {
    %mul3A = arith.constant 16 : i32
    %mul3A_0 = arith.muli %arg0, %mul3A : i32
    %add3A = arith.addi %mul3A_0, %arg1 : i32
    %mul3A_1 = arith.constant 10112 : i32
    %mul3A_2 = arith.muli %add3A, %mul3A_1 : i32
    %multiple_of3A = tpu.assume_multiple %mul3A_2, 10112 : i32
    "tpu.region"() ({
      %run_scoped3A_42 = tpu.sem_alloc : memref<!tpu.dma_semaphore, #tpu.memory_space<semaphore_mem>>
      %dma_start3A = tpu.memref_slice %arg2[%multiple_of3A] : memref<323584xi32, #tpu.memory_space<hbm>> -> memref<10112xi32, #tpu.memory_space<hbm>>
      %dma_start3A_43 = tpu.memref_slice %arg2[%multiple_of3A] : memref<323584xi32, #tpu.memory_space<hbm>> -> memref<10112xi32, #tpu.memory_space<hbm>>
      tpu.enqueue_dma source(%dma_start3A_43 : memref<10112xi32, #tpu.memory_space<hbm>>) target(%arg5 : memref<10112xi32, #tpu.memory_space<vmem>>) target_semaphore(%run_scoped3A_42 : memref<!tpu.dma_semaphore, #tpu.memory_space<semaphore_mem>>)
      %dma_wait3A = tpu.memref_slice %arg2[%multiple_of3A] : memref<323584xi32, #tpu.memory_space<hbm>> -> memref<10112xi32, #tpu.memory_space<hbm>>
      %dma_wait3A_44 = tpu.memref_slice %arg2[%multiple_of3A] : memref<323584xi32, #tpu.memory_space<hbm>> -> memref<10112xi32, #tpu.memory_space<hbm>>
      tpu.wait_dma2 semaphore(%run_scoped3A_42 : memref<!tpu.dma_semaphore, #tpu.memory_space<semaphore_mem>>) src(%dma_wait3A_44 : memref<10112xi32, #tpu.memory_space<hbm>>) dst(%arg5 : memref<10112xi32, #tpu.memory_space<vmem>>)
      tpu.yield
    }) : () -> ()
    "tpu.region"() ({
      %run_scoped3A_42 = tpu.sem_alloc : memref<!tpu.dma_semaphore, #tpu.memory_space<semaphore_mem>>
      %dma_start3A = tpu.memref_slice %arg3[%multiple_of3A] : memref<323584xi32, #tpu.memory_space<hbm>> -> memref<10112xi32, #tpu.memory_space<hbm>>
      %dma_start3A_43 = tpu.memref_slice %arg3[%multiple_of3A] : memref<323584xi32, #tpu.memory_space<hbm>> -> memref<10112xi32, #tpu.memory_space<hbm>>
      tpu.enqueue_dma source(%dma_start3A_43 : memref<10112xi32, #tpu.memory_space<hbm>>) target(%arg6 : memref<10112xi32, #tpu.memory_space<vmem>>) target_semaphore(%run_scoped3A_42 : memref<!tpu.dma_semaphore, #tpu.memory_space<semaphore_mem>>)
      %dma_wait3A = tpu.memref_slice %arg3[%multiple_of3A] : memref<323584xi32, #tpu.memory_space<hbm>> -> memref<10112xi32, #tpu.memory_space<hbm>>
      %dma_wait3A_44 = tpu.memref_slice %arg3[%multiple_of3A] : memref<323584xi32, #tpu.memory_space<hbm>> -> memref<10112xi32, #tpu.memory_space<hbm>>
      tpu.wait_dma2 semaphore(%run_scoped3A_42 : memref<!tpu.dma_semaphore, #tpu.memory_space<semaphore_mem>>) src(%dma_wait3A_44 : memref<10112xi32, #tpu.memory_space<hbm>>) dst(%arg6 : memref<10112xi32, #tpu.memory_space<vmem>>)
      tpu.yield
    }) : () -> ()
    %broadcast_in_dim3A = arith.constant 0.000000e+00 : f32
    %broadcast_in_dim3A_3 = vector.broadcast %broadcast_in_dim3A : f32 to vector<16xf32>
    %broadcast_in_dim3A_4 = arith.constant 1.000000e+00 : f32
    %broadcast_in_dim3A_5 = vector.broadcast %broadcast_in_dim3A_4 : f32 to vector<16xf32>
    %scan3A = arith.constant 0 : i32
    %scan3A_6 = arith.constant 0 : i32
    %scan3A_7 = arith.constant 640 : i32
    %scan3A_8 = arith.addi %scan3A_6, %scan3A_7 : i32
    %scan3A_9 = arith.constant 1 : i32
    %scan3A_10 = scf.for %scan3A_42 = %scan3A_6 to %scan3A_8 step %scan3A_9 iter_args(%scan3A_43 = %scan3A) -> (i32)  : i32 {
      %mul3A_44 = arith.constant 16 : i32
      %mul3A_45 = arith.muli %scan3A_42, %mul3A_44 : i32
      %swap3A = arith.index_cast %mul3A_45 : i32 to index
      %swap3A_46 = tpu.vector_load %arg7[%swap3A] {strides = array<i32>} : memref<10240xf32, #tpu.memory_space<vmem>>, vector<16xf32>,
      tpu.vector_store %arg7[%swap3A], %broadcast_in_dim3A_3 {strides = array<i32>} : memref<10240xf32, #tpu.memory_space<vmem>>, vector<16xf32>,
      %mul3A_47 = arith.constant 16 : i32
      %mul3A_48 = arith.muli %scan3A_42, %mul3A_47 : i32
      %swap3A_49 = arith.index_cast %mul3A_48 : i32 to index
      %swap3A_50 = tpu.vector_load %arg8[%swap3A_49] {strides = array<i32>} : memref<10240xf32, #tpu.memory_space<vmem>>, vector<16xf32>,
      tpu.vector_store %arg8[%swap3A_49], %broadcast_in_dim3A_3 {strides = array<i32>} : memref<10240xf32, #tpu.memory_space<vmem>>, vector<16xf32>,
      %scan3A_51 = arith.constant 0 : i32
      scf.yield %scan3A_51 : i32
    }
    %scan3A_11 = arith.constant 640 : i32
    %scan3A_12 = arith.constant 0 : i32
    %scan3A_13 = arith.constant 0 : i32
    %scan3A_14 = arith.constant 632 : i32
    %scan3A_15 = arith.addi %scan3A_13, %scan3A_14 : i32
    %scan3A_16 = arith.constant 1 : i32
    %scan3A_17 = scf.for %scan3A_42 = %scan3A_13 to %scan3A_15 step %scan3A_16 iter_args(%scan3A_43 = %scan3A_12) -> (i32)  : i32 {
      %mul3A_44 = arith.constant 16 : i32
      %mul3A_45 = arith.muli %scan3A_42, %mul3A_44 : i32
      %get3A = arith.index_cast %mul3A_45 : i32 to index
      %get3A_46 = tpu.vector_load %arg5[%get3A] {strides = array<i32>} : memref<10112xi32, #tpu.memory_space<vmem>>, vector<16xi32>,
      %mul3A_47 = arith.constant 16 : i32
      %mul3A_48 = arith.muli %scan3A_42, %mul3A_47 : i32
      %get3A_49 = arith.index_cast %mul3A_48 : i32 to index
      %get3A_50 = tpu.vector_load %arg6[%get3A_49] {strides = array<i32>} : memref<10112xi32, #tpu.memory_space<vmem>>, vector<16xi32>,
      tpu.vector_store_idx %arg7[%get3A_46], %broadcast_in_dim3A_5 {add = true} : memref<10240xf32, #tpu.memory_space<vmem>>[vector<16xi32>], vector<16xf32>,
      tpu.vector_store_idx %arg8[%get3A_50], %broadcast_in_dim3A_5 {add = true} : memref<10240xf32, #tpu.memory_space<vmem>>[vector<16xi32>], vector<16xf32>,
      %scan3A_51 = arith.constant 0 : i32
      scf.yield %scan3A_51 : i32
    }
    %scan3A_18 = arith.constant 632 : i32
    %mul3A_19 = arith.constant 640 : i32
    %mul3A_20 = arith.muli %arg1, %mul3A_19 : i32
    %multiple_of3A_21 = tpu.assume_multiple %mul3A_20, 640 : i32
    "tpu.region"() ({
      %run_scoped3A_42 = tpu.sem_alloc : memref<!tpu.dma_semaphore, #tpu.memory_space<semaphore_mem>>
      %dma_start3A = arith.constant 0 : i32
      %dma_start3A_43 = tpu.memref_slice %arg12[%arg1, %dma_start3A] : memref<16x10240xf32, #tpu.memory_space<vmem_shared>> -> memref<1x10240xf32, #tpu.memory_space<vmem_shared>>
      %dma_start3A_44 = tpu.memref_squeeze %dma_start3A_43 : memref<1x10240xf32, #tpu.memory_space<vmem_shared>> -> memref<10240xf32, #tpu.memory_space<vmem_shared>>
      %dma_start3A_45 = arith.constant 0 : i32
      %dma_start3A_46 = tpu.memref_slice %arg12[%arg1, %dma_start3A_45] : memref<16x10240xf32, #tpu.memory_space<vmem_shared>> -> memref<1x10240xf32, #tpu.memory_space<vmem_shared>>
      %dma_start3A_47 = tpu.memref_squeeze %dma_start3A_46 : memref<1x10240xf32, #tpu.memory_space<vmem_shared>> -> memref<10240xf32, #tpu.memory_space<vmem_shared>>
      tpu.enqueue_dma source(%arg7 : memref<10240xf32, #tpu.memory_space<vmem>>) target(%dma_start3A_47 : memref<10240xf32, #tpu.memory_space<vmem_shared>>) target_semaphore(%run_scoped3A_42 : memref<!tpu.dma_semaphore, #tpu.memory_space<semaphore_mem>>)
      %dma_wait3A = arith.constant 0 : i32
      %dma_wait3A_48 = tpu.memref_slice %arg12[%arg1, %dma_wait3A] : memref<16x10240xf32, #tpu.memory_space<vmem_shared>> -> memref<1x10240xf32, #tpu.memory_space<vmem_shared>>
      %dma_wait3A_49 = tpu.memref_squeeze %dma_wait3A_48 : memref<1x10240xf32, #tpu.memory_space<vmem_shared>> -> memref<10240xf32, #tpu.memory_space<vmem_shared>>
      %dma_wait3A_50 = arith.constant 0 : i32
      %dma_wait3A_51 = tpu.memref_slice %arg12[%arg1, %dma_wait3A_50] : memref<16x10240xf32, #tpu.memory_space<vmem_shared>> -> memref<1x10240xf32, #tpu.memory_space<vmem_shared>>
      %dma_wait3A_52 = tpu.memref_squeeze %dma_wait3A_51 : memref<1x10240xf32, #tpu.memory_space<vmem_shared>> -> memref<10240xf32, #tpu.memory_space<vmem_shared>>
      tpu.wait_dma2 semaphore(%run_scoped3A_42 : memref<!tpu.dma_semaphore, #tpu.memory_space<semaphore_mem>>) src(%arg7 : memref<10240xf32, #tpu.memory_space<vmem>>) dst(%dma_wait3A_52 : memref<10240xf32, #tpu.memory_space<vmem_shared>>)
      tpu.yield
    }) : () -> ()
    %barrier3A = arith.constant 0 : index
    tpu.barrier barrier_id(%barrier3A)
    %run_scoped3A = arith.constant 0 : i32
    "tpu.region"() ({
      %run_scoped3A_42 = tpu.sem_alloc : memref<!tpu.dma_semaphore, #tpu.memory_space<semaphore_mem>>
      %dma_start3A = tpu.memref_slice %arg12[%run_scoped3A, %multiple_of3A_21] : memref<16x10240xf32, #tpu.memory_space<vmem_shared>> -> memref<1x640xf32, #tpu.memory_space<vmem_shared>>
      %dma_start3A_43 = tpu.memref_squeeze %dma_start3A : memref<1x640xf32, #tpu.memory_space<vmem_shared>> -> memref<640xf32, #tpu.memory_space<vmem_shared>>
      %dma_start3A_44 = tpu.memref_slice %arg12[%run_scoped3A, %multiple_of3A_21] : memref<16x10240xf32, #tpu.memory_space<vmem_shared>> -> memref<1x640xf32, #tpu.memory_space<vmem_shared>>
      %dma_start3A_45 = tpu.memref_squeeze %dma_start3A_44 : memref<1x640xf32, #tpu.memory_space<vmem_shared>> -> memref<640xf32, #tpu.memory_space<vmem_shared>>
      tpu.enqueue_dma source(%dma_start3A_45 : memref<640xf32, #tpu.memory_space<vmem_shared>>) target(%arg10 : memref<640xf32, #tpu.memory_space<vmem>>) target_semaphore(%run_scoped3A_42 : memref<!tpu.dma_semaphore, #tpu.memory_space<semaphore_mem>>)
      %dma_wait3A = tpu.memref_slice %arg12[%run_scoped3A, %multiple_of3A_21] : memref<16x10240xf32, #tpu.memory_space<vmem_shared>> -> memref<1x640xf32, #tpu.memory_space<vmem_shared>>
      %dma_wait3A_46 = tpu.memref_squeeze %dma_wait3A : memref<1x640xf32, #tpu.memory_space<vmem_shared>> -> memref<640xf32, #tpu.memory_space<vmem_shared>>
      %dma_wait3A_47 = tpu.memref_slice %arg12[%run_scoped3A, %multiple_of3A_21] : memref<16x10240xf32, #tpu.memory_space<vmem_shared>> -> memref<1x640xf32, #tpu.memory_space<vmem_shared>>
      %dma_wait3A_48 = tpu.memref_squeeze %dma_wait3A_47 : memref<1x640xf32, #tpu.memory_space<vmem_shared>> -> memref<640xf32, #tpu.memory_space<vmem_shared>>
      tpu.wait_dma2 semaphore(%run_scoped3A_42 : memref<!tpu.dma_semaphore, #tpu.memory_space<semaphore_mem>>) src(%dma_wait3A_48 : memref<640xf32, #tpu.memory_space<vmem_shared>>) dst(%arg10 : memref<640xf32, #tpu.memory_space<vmem>>)
      tpu.yield
    }) : () -> ()
    %scan3A_22 = arith.constant 0 : i32
    %scan3A_23 = arith.constant 1 : i32
    %scan3A_24 = arith.constant 15 : i32
    %scan3A_25 = arith.addi %scan3A_23, %scan3A_24 : i32
    %scan3A_26 = arith.constant 1 : i32
    %scan3A_27 = scf.for %scan3A_42 = %scan3A_23 to %scan3A_25 step %scan3A_26 iter_args(%scan3A_43 = %scan3A_22) -> (i32)  : i32 {
      "tpu.region"() ({
        %run_scoped3A_52 = tpu.sem_alloc : memref<!tpu.dma_semaphore, #tpu.memory_space<semaphore_mem>>
        %dma_start3A = tpu.memref_slice %arg12[%scan3A_42, %multiple_of3A_21] : memref<16x10240xf32, #tpu.memory_space<vmem_shared>> -> memref<1x640xf32, #tpu.memory_space<vmem_shared>>
        %dma_start3A_53 = tpu.memref_squeeze %dma_start3A : memref<1x640xf32, #tpu.memory_space<vmem_shared>> -> memref<640xf32, #tpu.memory_space<vmem_shared>>
        %dma_start3A_54 = tpu.memref_slice %arg12[%scan3A_42, %multiple_of3A_21] : memref<16x10240xf32, #tpu.memory_space<vmem_shared>> -> memref<1x640xf32, #tpu.memory_space<vmem_shared>>
        %dma_start3A_55 = tpu.memref_squeeze %dma_start3A_54 : memref<1x640xf32, #tpu.memory_space<vmem_shared>> -> memref<640xf32, #tpu.memory_space<vmem_shared>>
        tpu.enqueue_dma source(%dma_start3A_55 : memref<640xf32, #tpu.memory_space<vmem_shared>>) target(%arg9 : memref<640xf32, #tpu.memory_space<vmem>>) target_semaphore(%run_scoped3A_52 : memref<!tpu.dma_semaphore, #tpu.memory_space<semaphore_mem>>)
        %dma_wait3A = tpu.memref_slice %arg12[%scan3A_42, %multiple_of3A_21] : memref<16x10240xf32, #tpu.memory_space<vmem_shared>> -> memref<1x640xf32, #tpu.memory_space<vmem_shared>>
        %dma_wait3A_56 = tpu.memref_squeeze %dma_wait3A : memref<1x640xf32, #tpu.memory_space<vmem_shared>> -> memref<640xf32, #tpu.memory_space<vmem_shared>>
        %dma_wait3A_57 = tpu.memref_slice %arg12[%scan3A_42, %multiple_of3A_21] : memref<16x10240xf32, #tpu.memory_space<vmem_shared>> -> memref<1x640xf32, #tpu.memory_space<vmem_shared>>
        %dma_wait3A_58 = tpu.memref_squeeze %dma_wait3A_57 : memref<1x640xf32, #tpu.memory_space<vmem_shared>> -> memref<640xf32, #tpu.memory_space<vmem_shared>>
        tpu.wait_dma2 semaphore(%run_scoped3A_52 : memref<!tpu.dma_semaphore, #tpu.memory_space<semaphore_mem>>) src(%dma_wait3A_58 : memref<640xf32, #tpu.memory_space<vmem_shared>>) dst(%arg9 : memref<640xf32, #tpu.memory_space<vmem>>)
        tpu.yield
      }) : () -> ()
      %scan3A_44 = arith.constant 0 : i32
      %scan3A_45 = arith.constant 0 : i32
      %scan3A_46 = arith.constant 40 : i32
      %scan3A_47 = arith.addi %scan3A_45, %scan3A_46 : i32
      %scan3A_48 = arith.constant 1 : i32
      %scan3A_49 = scf.for %scan3A_52 = %scan3A_45 to %scan3A_47 step %scan3A_48 iter_args(%scan3A_53 = %scan3A_44) -> (i32)  : i32 {
        %mul3A_54 = arith.constant 16 : i32
        %mul3A_55 = arith.muli %scan3A_52, %mul3A_54 : i32
        %get3A = arith.index_cast %mul3A_55 : i32 to index
        %get3A_56 = tpu.vector_load %arg10[%get3A] {strides = array<i32>} : memref<640xf32, #tpu.memory_space<vmem>>, vector<16xf32>,
        %get3A_57 = arith.index_cast %mul3A_55 : i32 to index
        %get3A_58 = tpu.vector_load %arg9[%get3A_57] {strides = array<i32>} : memref<640xf32, #tpu.memory_space<vmem>>, vector<16xf32>,
        %add3A_59 = arith.addf %get3A_56, %get3A_58 : vector<16xf32>
        %swap3A = arith.index_cast %mul3A_55 : i32 to index
        %swap3A_60 = tpu.vector_load %arg10[%swap3A] {strides = array<i32>} : memref<640xf32, #tpu.memory_space<vmem>>, vector<16xf32>,
        tpu.vector_store %arg10[%swap3A], %add3A_59 {strides = array<i32>} : memref<640xf32, #tpu.memory_space<vmem>>, vector<16xf32>,
        %scan3A_61 = arith.constant 0 : i32
        scf.yield %scan3A_61 : i32
      }
      %scan3A_50 = arith.constant 40 : i32
      %scan3A_51 = arith.constant 0 : i32
      scf.yield %scan3A_51 : i32
    }
    %scan3A_28 = arith.constant 15 : i32
    %barrier3A_29 = arith.constant 0 : index
    tpu.barrier barrier_id(%barrier3A_29)
    "tpu.region"() ({
      %run_scoped3A_42 = tpu.sem_alloc : memref<!tpu.dma_semaphore, #tpu.memory_space<semaphore_mem>>
      %dma_start3A = arith.constant 0 : i32
      %dma_start3A_43 = tpu.memref_slice %arg12[%arg1, %dma_start3A] : memref<16x10240xf32, #tpu.memory_space<vmem_shared>> -> memref<1x10240xf32, #tpu.memory_space<vmem_shared>>
      %dma_start3A_44 = tpu.memref_squeeze %dma_start3A_43 : memref<1x10240xf32, #tpu.memory_space<vmem_shared>> -> memref<10240xf32, #tpu.memory_space<vmem_shared>>
      %dma_start3A_45 = arith.constant 0 : i32
      %dma_start3A_46 = tpu.memref_slice %arg12[%arg1, %dma_start3A_45] : memref<16x10240xf32, #tpu.memory_space<vmem_shared>> -> memref<1x10240xf32, #tpu.memory_space<vmem_shared>>
      %dma_start3A_47 = tpu.memref_squeeze %dma_start3A_46 : memref<1x10240xf32, #tpu.memory_space<vmem_shared>> -> memref<10240xf32, #tpu.memory_space<vmem_shared>>
      tpu.enqueue_dma source(%arg8 : memref<10240xf32, #tpu.memory_space<vmem>>) target(%dma_start3A_47 : memref<10240xf32, #tpu.memory_space<vmem_shared>>) target_semaphore(%run_scoped3A_42 : memref<!tpu.dma_semaphore, #tpu.memory_space<semaphore_mem>>)
      %dma_wait3A = arith.constant 0 : i32
      %dma_wait3A_48 = tpu.memref_slice %arg12[%arg1, %dma_wait3A] : memref<16x10240xf32, #tpu.memory_space<vmem_shared>> -> memref<1x10240xf32, #tpu.memory_space<vmem_shared>>
      %dma_wait3A_49 = tpu.memref_squeeze %dma_wait3A_48 : memref<1x10240xf32, #tpu.memory_space<vmem_shared>> -> memref<10240xf32, #tpu.memory_space<vmem_shared>>
      %dma_wait3A_50 = arith.constant 0 : i32
      %dma_wait3A_51 = tpu.memref_slice %arg12[%arg1, %dma_wait3A_50] : memref<16x10240xf32, #tpu.memory_space<vmem_shared>> -> memref<1x10240xf32, #tpu.memory_space<vmem_shared>>
      %dma_wait3A_52 = tpu.memref_squeeze %dma_wait3A_51 : memref<1x10240xf32, #tpu.memory_space<vmem_shared>> -> memref<10240xf32, #tpu.memory_space<vmem_shared>>
      tpu.wait_dma2 semaphore(%run_scoped3A_42 : memref<!tpu.dma_semaphore, #tpu.memory_space<semaphore_mem>>) src(%arg8 : memref<10240xf32, #tpu.memory_space<vmem>>) dst(%dma_wait3A_52 : memref<10240xf32, #tpu.memory_space<vmem_shared>>)
      tpu.yield
    }) : () -> ()
    %barrier3A_30 = arith.constant 0 : index
    tpu.barrier barrier_id(%barrier3A_30)
    %run_scoped3A_31 = arith.constant 0 : i32
    "tpu.region"() ({
      %run_scoped3A_42 = tpu.sem_alloc : memref<!tpu.dma_semaphore, #tpu.memory_space<semaphore_mem>>
      %dma_start3A = tpu.memref_slice %arg12[%run_scoped3A_31, %multiple_of3A_21] : memref<16x10240xf32, #tpu.memory_space<vmem_shared>> -> memref<1x640xf32, #tpu.memory_space<vmem_shared>>
      %dma_start3A_43 = tpu.memref_squeeze %dma_start3A : memref<1x640xf32, #tpu.memory_space<vmem_shared>> -> memref<640xf32, #tpu.memory_space<vmem_shared>>
      %dma_start3A_44 = tpu.memref_slice %arg12[%run_scoped3A_31, %multiple_of3A_21] : memref<16x10240xf32, #tpu.memory_space<vmem_shared>> -> memref<1x640xf32, #tpu.memory_space<vmem_shared>>
      %dma_start3A_45 = tpu.memref_squeeze %dma_start3A_44 : memref<1x640xf32, #tpu.memory_space<vmem_shared>> -> memref<640xf32, #tpu.memory_space<vmem_shared>>
      tpu.enqueue_dma source(%dma_start3A_45 : memref<640xf32, #tpu.memory_space<vmem_shared>>) target(%arg11 : memref<640xf32, #tpu.memory_space<vmem>>) target_semaphore(%run_scoped3A_42 : memref<!tpu.dma_semaphore, #tpu.memory_space<semaphore_mem>>)
      %dma_wait3A = tpu.memref_slice %arg12[%run_scoped3A_31, %multiple_of3A_21] : memref<16x10240xf32, #tpu.memory_space<vmem_shared>> -> memref<1x640xf32, #tpu.memory_space<vmem_shared>>
      %dma_wait3A_46 = tpu.memref_squeeze %dma_wait3A : memref<1x640xf32, #tpu.memory_space<vmem_shared>> -> memref<640xf32, #tpu.memory_space<vmem_shared>>
      %dma_wait3A_47 = tpu.memref_slice %arg12[%run_scoped3A_31, %multiple_of3A_21] : memref<16x10240xf32, #tpu.memory_space<vmem_shared>> -> memref<1x640xf32, #tpu.memory_space<vmem_shared>>
      %dma_wait3A_48 = tpu.memref_squeeze %dma_wait3A_47 : memref<1x640xf32, #tpu.memory_space<vmem_shared>> -> memref<640xf32, #tpu.memory_space<vmem_shared>>
      tpu.wait_dma2 semaphore(%run_scoped3A_42 : memref<!tpu.dma_semaphore, #tpu.memory_space<semaphore_mem>>) src(%dma_wait3A_48 : memref<640xf32, #tpu.memory_space<vmem_shared>>) dst(%arg11 : memref<640xf32, #tpu.memory_space<vmem>>)
      tpu.yield
    }) : () -> ()
    %scan3A_32 = arith.constant 0 : i32
    %scan3A_33 = arith.constant 1 : i32
    %scan3A_34 = arith.constant 15 : i32
    %scan3A_35 = arith.addi %scan3A_33, %scan3A_34 : i32
    %scan3A_36 = arith.constant 1 : i32
    %scan3A_37 = scf.for %scan3A_42 = %scan3A_33 to %scan3A_35 step %scan3A_36 iter_args(%scan3A_43 = %scan3A_32) -> (i32)  : i32 {
      "tpu.region"() ({
        %run_scoped3A_52 = tpu.sem_alloc : memref<!tpu.dma_semaphore, #tpu.memory_space<semaphore_mem>>
        %dma_start3A = tpu.memref_slice %arg12[%scan3A_42, %multiple_of3A_21] : memref<16x10240xf32, #tpu.memory_space<vmem_shared>> -> memref<1x640xf32, #tpu.memory_space<vmem_shared>>
        %dma_start3A_53 = tpu.memref_squeeze %dma_start3A : memref<1x640xf32, #tpu.memory_space<vmem_shared>> -> memref<640xf32, #tpu.memory_space<vmem_shared>>
        %dma_start3A_54 = tpu.memref_slice %arg12[%scan3A_42, %multiple_of3A_21] : memref<16x10240xf32, #tpu.memory_space<vmem_shared>> -> memref<1x640xf32, #tpu.memory_space<vmem_shared>>
        %dma_start3A_55 = tpu.memref_squeeze %dma_start3A_54 : memref<1x640xf32, #tpu.memory_space<vmem_shared>> -> memref<640xf32, #tpu.memory_space<vmem_shared>>
        tpu.enqueue_dma source(%dma_start3A_55 : memref<640xf32, #tpu.memory_space<vmem_shared>>) target(%arg9 : memref<640xf32, #tpu.memory_space<vmem>>) target_semaphore(%run_scoped3A_52 : memref<!tpu.dma_semaphore, #tpu.memory_space<semaphore_mem>>)
        %dma_wait3A = tpu.memref_slice %arg12[%scan3A_42, %multiple_of3A_21] : memref<16x10240xf32, #tpu.memory_space<vmem_shared>> -> memref<1x640xf32, #tpu.memory_space<vmem_shared>>
        %dma_wait3A_56 = tpu.memref_squeeze %dma_wait3A : memref<1x640xf32, #tpu.memory_space<vmem_shared>> -> memref<640xf32, #tpu.memory_space<vmem_shared>>
        %dma_wait3A_57 = tpu.memref_slice %arg12[%scan3A_42, %multiple_of3A_21] : memref<16x10240xf32, #tpu.memory_space<vmem_shared>> -> memref<1x640xf32, #tpu.memory_space<vmem_shared>>
        %dma_wait3A_58 = tpu.memref_squeeze %dma_wait3A_57 : memref<1x640xf32, #tpu.memory_space<vmem_shared>> -> memref<640xf32, #tpu.memory_space<vmem_shared>>
        tpu.wait_dma2 semaphore(%run_scoped3A_52 : memref<!tpu.dma_semaphore, #tpu.memory_space<semaphore_mem>>) src(%dma_wait3A_58 : memref<640xf32, #tpu.memory_space<vmem_shared>>) dst(%arg9 : memref<640xf32, #tpu.memory_space<vmem>>)
        tpu.yield
      }) : () -> ()
      %scan3A_44 = arith.constant 0 : i32
      %scan3A_45 = arith.constant 0 : i32
      %scan3A_46 = arith.constant 40 : i32
      %scan3A_47 = arith.addi %scan3A_45, %scan3A_46 : i32
      %scan3A_48 = arith.constant 1 : i32
      %scan3A_49 = scf.for %scan3A_52 = %scan3A_45 to %scan3A_47 step %scan3A_48 iter_args(%scan3A_53 = %scan3A_44) -> (i32)  : i32 {
        %mul3A_54 = arith.constant 16 : i32
        %mul3A_55 = arith.muli %scan3A_52, %mul3A_54 : i32
        %get3A = arith.index_cast %mul3A_55 : i32 to index
        %get3A_56 = tpu.vector_load %arg11[%get3A] {strides = array<i32>} : memref<640xf32, #tpu.memory_space<vmem>>, vector<16xf32>,
        %get3A_57 = arith.index_cast %mul3A_55 : i32 to index
        %get3A_58 = tpu.vector_load %arg9[%get3A_57] {strides = array<i32>} : memref<640xf32, #tpu.memory_space<vmem>>, vector<16xf32>,
        %add3A_59 = arith.addf %get3A_56, %get3A_58 : vector<16xf32>
        %swap3A = arith.index_cast %mul3A_55 : i32 to index
        %swap3A_60 = tpu.vector_load %arg11[%swap3A] {strides = array<i32>} : memref<640xf32, #tpu.memory_space<vmem>>, vector<16xf32>,
        tpu.vector_store %arg11[%swap3A], %add3A_59 {strides = array<i32>} : memref<640xf32, #tpu.memory_space<vmem>>, vector<16xf32>,
        %scan3A_61 = arith.constant 0 : i32
        scf.yield %scan3A_61 : i32
      }
      %scan3A_50 = arith.constant 40 : i32
      %scan3A_51 = arith.constant 0 : i32
      scf.yield %scan3A_51 : i32
    }
    %scan3A_38 = arith.constant 15 : i32
    %barrier3A_39 = arith.constant 0 : index
    tpu.barrier barrier_id(%barrier3A_39)
    %run_scoped3A_40 = arith.constant 0 : i32
    "tpu.region"() ({
      %run_scoped3A_42 = tpu.sem_alloc : memref<!tpu.dma_semaphore, #tpu.memory_space<semaphore_mem>>
      %dma_start3A = tpu.memref_slice %arg4[%run_scoped3A_40, %arg0, %multiple_of3A_21] : memref<2x2x10240xf32, #tpu.memory_space<hbm>> -> memref<1x1x640xf32, #tpu.memory_space<hbm>>
      %dma_start3A_43 = tpu.memref_squeeze %dma_start3A : memref<1x1x640xf32, #tpu.memory_space<hbm>> -> memref<640xf32, #tpu.memory_space<hbm>>
      %dma_start3A_44 = tpu.memref_slice %arg4[%run_scoped3A_40, %arg0, %multiple_of3A_21] : memref<2x2x10240xf32, #tpu.memory_space<hbm>> -> memref<1x1x640xf32, #tpu.memory_space<hbm>>
      %dma_start3A_45 = tpu.memref_squeeze %dma_start3A_44 : memref<1x1x640xf32, #tpu.memory_space<hbm>> -> memref<640xf32, #tpu.memory_space<hbm>>
      tpu.enqueue_dma source(%arg10 : memref<640xf32, #tpu.memory_space<vmem>>) target(%dma_start3A_45 : memref<640xf32, #tpu.memory_space<hbm>>) target_semaphore(%run_scoped3A_42 : memref<!tpu.dma_semaphore, #tpu.memory_space<semaphore_mem>>)
      %dma_wait3A = tpu.memref_slice %arg4[%run_scoped3A_40, %arg0, %multiple_of3A_21] : memref<2x2x10240xf32, #tpu.memory_space<hbm>> -> memref<1x1x640xf32, #tpu.memory_space<hbm>>
      %dma_wait3A_46 = tpu.memref_squeeze %dma_wait3A : memref<1x1x640xf32, #tpu.memory_space<hbm>> -> memref<640xf32, #tpu.memory_space<hbm>>
      %dma_wait3A_47 = tpu.memref_slice %arg4[%run_scoped3A_40, %arg0, %multiple_of3A_21] : memref<2x2x10240xf32, #tpu.memory_space<hbm>> -> memref<1x1x640xf32, #tpu.memory_space<hbm>>
      %dma_wait3A_48 = tpu.memref_squeeze %dma_wait3A_47 : memref<1x1x640xf32, #tpu.memory_space<hbm>> -> memref<640xf32, #tpu.memory_space<hbm>>
      tpu.wait_dma2 semaphore(%run_scoped3A_42 : memref<!tpu.dma_semaphore, #tpu.memory_space<semaphore_mem>>) src(%arg10 : memref<640xf32, #tpu.memory_space<vmem>>) dst(%dma_wait3A_48 : memref<640xf32, #tpu.memory_space<hbm>>)
      tpu.yield
    }) : () -> ()
    %run_scoped3A_41 = arith.constant 1 : i32
    "tpu.region"() ({
      %run_scoped3A_42 = tpu.sem_alloc : memref<!tpu.dma_semaphore, #tpu.memory_space<semaphore_mem>>
      %dma_start3A = tpu.memref_slice %arg4[%run_scoped3A_41, %arg0, %multiple_of3A_21] : memref<2x2x10240xf32, #tpu.memory_space<hbm>> -> memref<1x1x640xf32, #tpu.memory_space<hbm>>
      %dma_start3A_43 = tpu.memref_squeeze %dma_start3A : memref<1x1x640xf32, #tpu.memory_space<hbm>> -> memref<640xf32, #tpu.memory_space<hbm>>
      %dma_start3A_44 = tpu.memref_slice %arg4[%run_scoped3A_41, %arg0, %multiple_of3A_21] : memref<2x2x10240xf32, #tpu.memory_space<hbm>> -> memref<1x1x640xf32, #tpu.memory_space<hbm>>
      %dma_start3A_45 = tpu.memref_squeeze %dma_start3A_44 : memref<1x1x640xf32, #tpu.memory_space<hbm>> -> memref<640xf32, #tpu.memory_space<hbm>>
      tpu.enqueue_dma source(%arg11 : memref<640xf32, #tpu.memory_space<vmem>>) target(%dma_start3A_45 : memref<640xf32, #tpu.memory_space<hbm>>) target_semaphore(%run_scoped3A_42 : memref<!tpu.dma_semaphore, #tpu.memory_space<semaphore_mem>>)
      %dma_wait3A = tpu.memref_slice %arg4[%run_scoped3A_41, %arg0, %multiple_of3A_21] : memref<2x2x10240xf32, #tpu.memory_space<hbm>> -> memref<1x1x640xf32, #tpu.memory_space<hbm>>
      %dma_wait3A_46 = tpu.memref_squeeze %dma_wait3A : memref<1x1x640xf32, #tpu.memory_space<hbm>> -> memref<640xf32, #tpu.memory_space<hbm>>
      %dma_wait3A_47 = tpu.memref_slice %arg4[%run_scoped3A_41, %arg0, %multiple_of3A_21] : memref<2x2x10240xf32, #tpu.memory_space<hbm>> -> memref<1x1x640xf32, #tpu.memory_space<hbm>>
      %dma_wait3A_48 = tpu.memref_squeeze %dma_wait3A_47 : memref<1x1x640xf32, #tpu.memory_space<hbm>> -> memref<640xf32, #tpu.memory_space<hbm>>
      tpu.wait_dma2 semaphore(%run_scoped3A_42 : memref<!tpu.dma_semaphore, #tpu.memory_space<semaphore_mem>>) src(%arg11 : memref<640xf32, #tpu.memory_space<vmem>>) dst(%dma_wait3A_48 : memref<640xf32, #tpu.memory_space<hbm>>)
      tpu.yield
    }) : () -> ()
    return
  }
}

#map = affine_map<(d0, d1) -> (0, 0)>
#map1 = affine_map<(d0, d1) -> (0, 0, 0)>
module attributes {stable_mosaic.version = 14 : i64} {
  func.func @_agg_body(%arg0: i32, %arg1: i32, %arg2: memref<10240x64xf32, #tpu.memory_space<hbm>>, %arg3: memref<10240x64xf32, #tpu.memory_space<hbm>>, %arg4: memref<32x79x128xi32, #tpu.memory_space<hbm>>, %arg5: memref<32x79x128xi32, #tpu.memory_space<hbm>>, %arg6: memref<2x10240x64xf32, #tpu.memory_space<hbm>>, %arg7: memref<79x128xi32, #tpu.memory_space<vmem>>, %arg8: memref<79x128xi32, #tpu.memory_space<vmem>>, %arg9: memref<384x64xf32, #tpu.memory_space<vmem>>, %arg10: memref<10240x64xf32, #tpu.memory_space<vmem_shared>>, %arg11: memref<10240x64xf32, #tpu.memory_space<vmem_shared>>, %arg12: memref<2x!tpu.dma_semaphore, #tpu.memory_space<semaphore_mem>>, %arg13: memref<2x!tpu.dma_semaphore, #tpu.memory_space<semaphore_mem>>) attributes {dimension_semantics = [#tpu.dimension_semantics<core_parallel>, #tpu.dimension_semantics<subcore_parallel>], iteration_bounds = array<i64: 2, 16>, scalar_prefetch = 0 : i64, scratch_operands = 7 : i64, tpu.core_type = #tpu.core_type<sc_vector_subcore>, window_params = [{transform_indices = #map}, {transform_indices = #map}, {transform_indices = #map1}, {transform_indices = #map1}, {transform_indices = #map1}]} {
    %mul3A = arith.constant 16 : i32
    %mul3A_0 = arith.muli %arg0, %mul3A : i32
    %add3A = arith.addi %mul3A_0, %arg1 : i32
    %mul3A_1 = arith.constant 640 : i32
    %mul3A_2 = arith.muli %arg1, %mul3A_1 : i32
    %multiple_of3A = tpu.assume_multiple %mul3A_2, 640 : i32
    "tpu.region"() ({
      %run_scoped3A = tpu.sem_alloc : memref<!tpu.dma_semaphore, #tpu.memory_space<semaphore_mem>>
      %dma_start3A_50 = arith.constant 0 : i32
      %dma_start3A_51 = tpu.memref_slice %arg10[%multiple_of3A, %dma_start3A_50] : memref<10240x64xf32, #tpu.memory_space<vmem_shared>> -> memref<640x64xf32, #tpu.memory_space<vmem_shared>>
      %dma_start3A_52 = arith.constant 0 : i32
      %dma_start3A_53 = tpu.memref_slice %arg3[%multiple_of3A, %dma_start3A_52] : memref<10240x64xf32, #tpu.memory_space<hbm>> -> memref<640x64xf32, #tpu.memory_space<hbm>>
      tpu.enqueue_dma source(%dma_start3A_53 : memref<640x64xf32, #tpu.memory_space<hbm>>) target(%dma_start3A_51 : memref<640x64xf32, #tpu.memory_space<vmem_shared>>) target_semaphore(%run_scoped3A : memref<!tpu.dma_semaphore, #tpu.memory_space<semaphore_mem>>)
      %dma_wait3A_54 = arith.constant 0 : i32
      %dma_wait3A_55 = tpu.memref_slice %arg10[%multiple_of3A, %dma_wait3A_54] : memref<10240x64xf32, #tpu.memory_space<vmem_shared>> -> memref<640x64xf32, #tpu.memory_space<vmem_shared>>
      %dma_wait3A_56 = arith.constant 0 : i32
      %dma_wait3A_57 = tpu.memref_slice %arg3[%multiple_of3A, %dma_wait3A_56] : memref<10240x64xf32, #tpu.memory_space<hbm>> -> memref<640x64xf32, #tpu.memory_space<hbm>>
      tpu.wait_dma2 semaphore(%run_scoped3A : memref<!tpu.dma_semaphore, #tpu.memory_space<semaphore_mem>>) src(%dma_wait3A_57 : memref<640x64xf32, #tpu.memory_space<hbm>>) dst(%dma_wait3A_55 : memref<640x64xf32, #tpu.memory_space<vmem_shared>>)
      tpu.yield
    }) : () -> ()
    "tpu.region"() ({
      %run_scoped3A = tpu.sem_alloc : memref<!tpu.dma_semaphore, #tpu.memory_space<semaphore_mem>>
      %dma_start3A_50 = arith.constant 0 : i32
      %dma_start3A_51 = tpu.memref_slice %arg11[%multiple_of3A, %dma_start3A_50] : memref<10240x64xf32, #tpu.memory_space<vmem_shared>> -> memref<640x64xf32, #tpu.memory_space<vmem_shared>>
      %dma_start3A_52 = arith.constant 0 : i32
      %dma_start3A_53 = tpu.memref_slice %arg2[%multiple_of3A, %dma_start3A_52] : memref<10240x64xf32, #tpu.memory_space<hbm>> -> memref<640x64xf32, #tpu.memory_space<hbm>>
      tpu.enqueue_dma source(%dma_start3A_53 : memref<640x64xf32, #tpu.memory_space<hbm>>) target(%dma_start3A_51 : memref<640x64xf32, #tpu.memory_space<vmem_shared>>) target_semaphore(%run_scoped3A : memref<!tpu.dma_semaphore, #tpu.memory_space<semaphore_mem>>)
      %dma_wait3A_54 = arith.constant 0 : i32
      %dma_wait3A_55 = tpu.memref_slice %arg11[%multiple_of3A, %dma_wait3A_54] : memref<10240x64xf32, #tpu.memory_space<vmem_shared>> -> memref<640x64xf32, #tpu.memory_space<vmem_shared>>
      %dma_wait3A_56 = arith.constant 0 : i32
      %dma_wait3A_57 = tpu.memref_slice %arg2[%multiple_of3A, %dma_wait3A_56] : memref<10240x64xf32, #tpu.memory_space<hbm>> -> memref<640x64xf32, #tpu.memory_space<hbm>>
      tpu.wait_dma2 semaphore(%run_scoped3A : memref<!tpu.dma_semaphore, #tpu.memory_space<semaphore_mem>>) src(%dma_wait3A_57 : memref<640x64xf32, #tpu.memory_space<hbm>>) dst(%dma_wait3A_55 : memref<640x64xf32, #tpu.memory_space<vmem_shared>>)
      tpu.yield
    }) : () -> ()
    "tpu.region"() ({
      %run_scoped3A = tpu.sem_alloc : memref<!tpu.dma_semaphore, #tpu.memory_space<semaphore_mem>>
      %dma_start3A_50 = arith.constant 0 : i32
      %dma_start3A_51 = arith.constant 0 : i32
      %dma_start3A_52 = tpu.memref_slice %arg4[%add3A, %dma_start3A_50, %dma_start3A_51] : memref<32x79x128xi32, #tpu.memory_space<hbm>> -> memref<1x79x128xi32, #tpu.memory_space<hbm>>
      %dma_start3A_53 = tpu.memref_squeeze %dma_start3A_52 : memref<1x79x128xi32, #tpu.memory_space<hbm>> -> memref<79x128xi32, #tpu.memory_space<hbm>>
      %dma_start3A_54 = arith.constant 0 : i32
      %dma_start3A_55 = arith.constant 0 : i32
      %dma_start3A_56 = tpu.memref_slice %arg4[%add3A, %dma_start3A_54, %dma_start3A_55] : memref<32x79x128xi32, #tpu.memory_space<hbm>> -> memref<1x79x128xi32, #tpu.memory_space<hbm>>
      %dma_start3A_57 = tpu.memref_squeeze %dma_start3A_56 : memref<1x79x128xi32, #tpu.memory_space<hbm>> -> memref<79x128xi32, #tpu.memory_space<hbm>>
      tpu.enqueue_dma source(%dma_start3A_57 : memref<79x128xi32, #tpu.memory_space<hbm>>) target(%arg7 : memref<79x128xi32, #tpu.memory_space<vmem>>) target_semaphore(%run_scoped3A : memref<!tpu.dma_semaphore, #tpu.memory_space<semaphore_mem>>)
      %dma_wait3A_58 = arith.constant 0 : i32
      %dma_wait3A_59 = arith.constant 0 : i32
      %dma_wait3A_60 = tpu.memref_slice %arg4[%add3A, %dma_wait3A_58, %dma_wait3A_59] : memref<32x79x128xi32, #tpu.memory_space<hbm>> -> memref<1x79x128xi32, #tpu.memory_space<hbm>>
      %dma_wait3A_61 = tpu.memref_squeeze %dma_wait3A_60 : memref<1x79x128xi32, #tpu.memory_space<hbm>> -> memref<79x128xi32, #tpu.memory_space<hbm>>
      %dma_wait3A_62 = arith.constant 0 : i32
      %dma_wait3A_63 = arith.constant 0 : i32
      %dma_wait3A_64 = tpu.memref_slice %arg4[%add3A, %dma_wait3A_62, %dma_wait3A_63] : memref<32x79x128xi32, #tpu.memory_space<hbm>> -> memref<1x79x128xi32, #tpu.memory_space<hbm>>
      %dma_wait3A_65 = tpu.memref_squeeze %dma_wait3A_64 : memref<1x79x128xi32, #tpu.memory_space<hbm>> -> memref<79x128xi32, #tpu.memory_space<hbm>>
      tpu.wait_dma2 semaphore(%run_scoped3A : memref<!tpu.dma_semaphore, #tpu.memory_space<semaphore_mem>>) src(%dma_wait3A_65 : memref<79x128xi32, #tpu.memory_space<hbm>>) dst(%arg7 : memref<79x128xi32, #tpu.memory_space<vmem>>)
      tpu.yield
    }) : () -> ()
    "tpu.region"() ({
      %run_scoped3A = tpu.sem_alloc : memref<!tpu.dma_semaphore, #tpu.memory_space<semaphore_mem>>
      %dma_start3A_50 = arith.constant 0 : i32
      %dma_start3A_51 = arith.constant 0 : i32
      %dma_start3A_52 = tpu.memref_slice %arg5[%add3A, %dma_start3A_50, %dma_start3A_51] : memref<32x79x128xi32, #tpu.memory_space<hbm>> -> memref<1x79x128xi32, #tpu.memory_space<hbm>>
      %dma_start3A_53 = tpu.memref_squeeze %dma_start3A_52 : memref<1x79x128xi32, #tpu.memory_space<hbm>> -> memref<79x128xi32, #tpu.memory_space<hbm>>
      %dma_start3A_54 = arith.constant 0 : i32
      %dma_start3A_55 = arith.constant 0 : i32
      %dma_start3A_56 = tpu.memref_slice %arg5[%add3A, %dma_start3A_54, %dma_start3A_55] : memref<32x79x128xi32, #tpu.memory_space<hbm>> -> memref<1x79x128xi32, #tpu.memory_space<hbm>>
      %dma_start3A_57 = tpu.memref_squeeze %dma_start3A_56 : memref<1x79x128xi32, #tpu.memory_space<hbm>> -> memref<79x128xi32, #tpu.memory_space<hbm>>
      tpu.enqueue_dma source(%dma_start3A_57 : memref<79x128xi32, #tpu.memory_space<hbm>>) target(%arg8 : memref<79x128xi32, #tpu.memory_space<vmem>>) target_semaphore(%run_scoped3A : memref<!tpu.dma_semaphore, #tpu.memory_space<semaphore_mem>>)
      %dma_wait3A_58 = arith.constant 0 : i32
      %dma_wait3A_59 = arith.constant 0 : i32
      %dma_wait3A_60 = tpu.memref_slice %arg5[%add3A, %dma_wait3A_58, %dma_wait3A_59] : memref<32x79x128xi32, #tpu.memory_space<hbm>> -> memref<1x79x128xi32, #tpu.memory_space<hbm>>
      %dma_wait3A_61 = tpu.memref_squeeze %dma_wait3A_60 : memref<1x79x128xi32, #tpu.memory_space<hbm>> -> memref<79x128xi32, #tpu.memory_space<hbm>>
      %dma_wait3A_62 = arith.constant 0 : i32
      %dma_wait3A_63 = arith.constant 0 : i32
      %dma_wait3A_64 = tpu.memref_slice %arg5[%add3A, %dma_wait3A_62, %dma_wait3A_63] : memref<32x79x128xi32, #tpu.memory_space<hbm>> -> memref<1x79x128xi32, #tpu.memory_space<hbm>>
      %dma_wait3A_65 = tpu.memref_squeeze %dma_wait3A_64 : memref<1x79x128xi32, #tpu.memory_space<hbm>> -> memref<79x128xi32, #tpu.memory_space<hbm>>
      tpu.wait_dma2 semaphore(%run_scoped3A : memref<!tpu.dma_semaphore, #tpu.memory_space<semaphore_mem>>) src(%dma_wait3A_65 : memref<79x128xi32, #tpu.memory_space<hbm>>) dst(%arg8 : memref<79x128xi32, #tpu.memory_space<vmem>>)
      tpu.yield
    }) : () -> ()
    %barrier3A = arith.constant 0 : index
    tpu.barrier barrier_id(%barrier3A)
    %multiple_of3A_3 = arith.constant 0 : i32
    %multiple_of3A_4 = tpu.assume_multiple %multiple_of3A_3, 128 : i32
    %dma_start3A = arith.constant 0 : i32
    %dma_start3A_5 = arith.constant 0 : i32
    %dma_start3A_6 = arith.constant 0 : i32
    %dma_start3A_7 = tpu.memref_slice %arg9[%multiple_of3A_4, %dma_start3A_6] : memref<384x64xf32, #tpu.memory_space<vmem>> -> memref<128x64xf32, #tpu.memory_space<vmem>>
    %dma_start3A_8 = arith.constant 0 : i32
    %dma_start3A_9 = tpu.memref_slice %arg7[%dma_start3A, %dma_start3A_8] : memref<79x128xi32, #tpu.memory_space<vmem>> -> memref<1x128xi32, #tpu.memory_space<vmem>>
    %dma_start3A_10 = tpu.memref_squeeze %dma_start3A_9 : memref<1x128xi32, #tpu.memory_space<vmem>> -> memref<128xi32, #tpu.memory_space<vmem>>
    %dma_start3A_11 = arith.constant 0 : i32
    %dma_start3A_12 = arith.constant 0 : i32
    %dma_start3A_13 = tpu.memref_slice %arg11[%dma_start3A_11, %dma_start3A_12] : memref<10240x64xf32, #tpu.memory_space<vmem_shared>> -> memref<10240x64xf32, #tpu.memory_space<vmem_shared>>
    %dma_start3A_14 = tpu.memref_slice %arg12[%dma_start3A_5] : memref<2x!tpu.dma_semaphore, #tpu.memory_space<semaphore_mem>> -> memref<1x!tpu.dma_semaphore, #tpu.memory_space<semaphore_mem>>
    %dma_start3A_15 = tpu.memref_squeeze %dma_start3A_14 : memref<1x!tpu.dma_semaphore, #tpu.memory_space<semaphore_mem>> -> memref<!tpu.dma_semaphore, #tpu.memory_space<semaphore_mem>>
    tpu.enqueue_indirect_dma source(%dma_start3A_13 : memref<10240x64xf32, #tpu.memory_space<vmem_shared>>) target(%dma_start3A_7 : memref<128x64xf32, #tpu.memory_space<vmem>>) offsets(%dma_start3A_10 : memref<128xi32, #tpu.memory_space<vmem>>) semaphore(%dma_start3A_15 : memref<!tpu.dma_semaphore, #tpu.memory_space<semaphore_mem>>)
    %scan3A = arith.constant 0 : i32
    %scan3A_16 = arith.constant 0 : i32
    %scan3A_17 = arith.constant 79 : i32
    %scan3A_18 = arith.addi %scan3A_16, %scan3A_17 : i32
    %scan3A_19 = arith.constant 1 : i32
    %scan3A_20 = scf.for %scan3A_50 = %scan3A_16 to %scan3A_18 step %scan3A_19 iter_args(%scan3A_51 = %scan3A) -> (i32)  : i32 {
      %jit3A = arith.constant 3 : i32
      %eq3A = arith.constant 0 : i32
      %eq3A_52 = arith.cmpi eq, %jit3A, %eq3A : i32
      %jit3A_53 = arith.constant 1 : i32
      %select_n3A = arith.select %eq3A_52, %jit3A_53, %jit3A : i32
      %rem3A = arith.remsi %scan3A_50, %select_n3A : i32
      %ne3A = arith.constant 0 : i32
      %ne3A_54 = arith.cmpi ne, %rem3A, %ne3A : i32
      %lt3A = arith.constant 0 : i32
      %lt3A_55 = arith.cmpi slt, %rem3A, %lt3A : i32
      %lt3A_56 = arith.constant 0 : i32
      %lt3A_57 = arith.cmpi slt, %select_n3A, %lt3A_56 : i32
      %ne3A_58 = arith.xori %lt3A_55, %lt3A_57 : i1
      %and3A = arith.andi %ne3A_58, %ne3A_54 : i1
      %add3A_59 = arith.addi %rem3A, %select_n3A : i32
      %select_n3A_60 = arith.select %and3A, %add3A_59, %rem3A : i32
      %mul3A_61 = arith.constant 128 : i32
      %mul3A_62 = arith.muli %select_n3A_60, %mul3A_61 : i32
      %multiple_of3A_63 = tpu.assume_multiple %mul3A_62, 128 : i32
      %jit3A_64 = arith.constant 2 : i32
      %eq3A_65 = arith.constant 0 : i32
      %eq3A_66 = arith.cmpi eq, %jit3A_64, %eq3A_65 : i32
      %jit3A_67 = arith.constant 1 : i32
      %select_n3A_68 = arith.select %eq3A_66, %jit3A_67, %jit3A_64 : i32
      %rem3A_69 = arith.remsi %scan3A_50, %select_n3A_68 : i32
      %ne3A_70 = arith.constant 0 : i32
      %ne3A_71 = arith.cmpi ne, %rem3A_69, %ne3A_70 : i32
      %lt3A_72 = arith.constant 0 : i32
      %lt3A_73 = arith.cmpi slt, %rem3A_69, %lt3A_72 : i32
      %lt3A_74 = arith.constant 0 : i32
      %lt3A_75 = arith.cmpi slt, %select_n3A_68, %lt3A_74 : i32
      %ne3A_76 = arith.xori %lt3A_73, %lt3A_75 : i1
      %and3A_77 = arith.andi %ne3A_76, %ne3A_71 : i1
      %add3A_78 = arith.addi %rem3A_69, %select_n3A_68 : i32
      %select_n3A_79 = arith.select %and3A_77, %add3A_78, %rem3A_69 : i32
      %dma_wait3A_80 = arith.constant 0 : i32
      %dma_wait3A_81 = tpu.memref_slice %arg9[%multiple_of3A_63, %dma_wait3A_80] : memref<384x64xf32, #tpu.memory_space<vmem>> -> memref<128x64xf32, #tpu.memory_space<vmem>>
      %dma_wait3A_82 = arith.constant 0 : i32
      %dma_wait3A_83 = tpu.memref_slice %arg7[%scan3A_50, %dma_wait3A_82] : memref<79x128xi32, #tpu.memory_space<vmem>> -> memref<1x128xi32, #tpu.memory_space<vmem>>
      %dma_wait3A_84 = tpu.memref_squeeze %dma_wait3A_83 : memref<1x128xi32, #tpu.memory_space<vmem>> -> memref<128xi32, #tpu.memory_space<vmem>>
      %dma_wait3A_85 = arith.constant 0 : i32
      %dma_wait3A_86 = arith.constant 0 : i32
      %dma_wait3A_87 = tpu.memref_slice %arg11[%dma_wait3A_85, %dma_wait3A_86] : memref<10240x64xf32, #tpu.memory_space<vmem_shared>> -> memref<10240x64xf32, #tpu.memory_space<vmem_shared>>
      %dma_wait3A_88 = tpu.memref_slice %arg12[%select_n3A_79] : memref<2x!tpu.dma_semaphore, #tpu.memory_space<semaphore_mem>> -> memref<1x!tpu.dma_semaphore, #tpu.memory_space<semaphore_mem>>
      %dma_wait3A_89 = tpu.memref_squeeze %dma_wait3A_88 : memref<1x!tpu.dma_semaphore, #tpu.memory_space<semaphore_mem>> -> memref<!tpu.dma_semaphore, #tpu.memory_space<semaphore_mem>>
      tpu.wait_indirect_dma semaphore(%dma_wait3A_89 : memref<!tpu.dma_semaphore, #tpu.memory_space<semaphore_mem>>) src(%dma_wait3A_87 : memref<10240x64xf32, #tpu.memory_space<vmem_shared>>) dst(%dma_wait3A_81 : memref<128x64xf32, #tpu.memory_space<vmem>>)
      %ge3A = arith.constant 2 : i32
      %ge3A_90 = arith.cmpi sge, %scan3A_50, %ge3A : i32
      %convert_element_type3A = arith.extui %ge3A_90 : i1 to i32
      %cond3A = arith.constant 0 : i32
      %cond3A_91 = arith.cmpi ne, %convert_element_type3A, %cond3A : i32
      scf.if %cond3A_91 {
        %sub3A = arith.constant 2 : i32
        %sub3A_124 = arith.subi %scan3A_50, %sub3A : i32
        %jit3A_125 = arith.constant 3 : i32
        %eq3A_126 = arith.constant 0 : i32
        %eq3A_127 = arith.cmpi eq, %jit3A_125, %eq3A_126 : i32
        %jit3A_128 = arith.constant 1 : i32
        %select_n3A_129 = arith.select %eq3A_127, %jit3A_128, %jit3A_125 : i32
        %rem3A_130 = arith.remsi %sub3A_124, %select_n3A_129 : i32
        %ne3A_131 = arith.constant 0 : i32
        %ne3A_132 = arith.cmpi ne, %rem3A_130, %ne3A_131 : i32
        %lt3A_133 = arith.constant 0 : i32
        %lt3A_134 = arith.cmpi slt, %rem3A_130, %lt3A_133 : i32
        %lt3A_135 = arith.constant 0 : i32
        %lt3A_136 = arith.cmpi slt, %select_n3A_129, %lt3A_135 : i32
        %ne3A_137 = arith.xori %lt3A_134, %lt3A_136 : i1
        %and3A_138 = arith.andi %ne3A_137, %ne3A_132 : i1
        %add3A_139 = arith.addi %rem3A_130, %select_n3A_129 : i32
        %select_n3A_140 = arith.select %and3A_138, %add3A_139, %rem3A_130 : i32
        %mul3A_141 = arith.constant 128 : i32
        %mul3A_142 = arith.muli %select_n3A_140, %mul3A_141 : i32
        %multiple_of3A_143 = tpu.assume_multiple %mul3A_142, 128 : i32
        %sub3A_144 = arith.constant 2 : i32
        %sub3A_145 = arith.subi %scan3A_50, %sub3A_144 : i32
        %jit3A_146 = arith.constant 2 : i32
        %eq3A_147 = arith.constant 0 : i32
        %eq3A_148 = arith.cmpi eq, %jit3A_146, %eq3A_147 : i32
        %jit3A_149 = arith.constant 1 : i32
        %select_n3A_150 = arith.select %eq3A_148, %jit3A_149, %jit3A_146 : i32
        %rem3A_151 = arith.remsi %scan3A_50, %select_n3A_150 : i32
        %ne3A_152 = arith.constant 0 : i32
        %ne3A_153 = arith.cmpi ne, %rem3A_151, %ne3A_152 : i32
        %lt3A_154 = arith.constant 0 : i32
        %lt3A_155 = arith.cmpi slt, %rem3A_151, %lt3A_154 : i32
        %lt3A_156 = arith.constant 0 : i32
        %lt3A_157 = arith.cmpi slt, %select_n3A_150, %lt3A_156 : i32
        %ne3A_158 = arith.xori %lt3A_155, %lt3A_157 : i1
        %and3A_159 = arith.andi %ne3A_158, %ne3A_153 : i1
        %add3A_160 = arith.addi %rem3A_151, %select_n3A_150 : i32
        %select_n3A_161 = arith.select %and3A_159, %add3A_160, %rem3A_151 : i32
        %dma_wait3A_162 = arith.constant 0 : i32
        %dma_wait3A_163 = tpu.memref_slice %arg9[%multiple_of3A_143, %dma_wait3A_162] : memref<384x64xf32, #tpu.memory_space<vmem>> -> memref<128x64xf32, #tpu.memory_space<vmem>>
        %dma_wait3A_164 = arith.constant 0 : i32
        %dma_wait3A_165 = tpu.memref_slice %arg8[%sub3A_145, %dma_wait3A_164] : memref<79x128xi32, #tpu.memory_space<vmem>> -> memref<1x128xi32, #tpu.memory_space<vmem>>
        %dma_wait3A_166 = tpu.memref_squeeze %dma_wait3A_165 : memref<1x128xi32, #tpu.memory_space<vmem>> -> memref<128xi32, #tpu.memory_space<vmem>>
        %dma_wait3A_167 = arith.constant 0 : i32
        %dma_wait3A_168 = arith.constant 0 : i32
        %dma_wait3A_169 = tpu.memref_slice %arg10[%dma_wait3A_167, %dma_wait3A_168] : memref<10240x64xf32, #tpu.memory_space<vmem_shared>> -> memref<10240x64xf32, #tpu.memory_space<vmem_shared>>
        %dma_wait3A_170 = tpu.memref_slice %arg13[%select_n3A_161] : memref<2x!tpu.dma_semaphore, #tpu.memory_space<semaphore_mem>> -> memref<1x!tpu.dma_semaphore, #tpu.memory_space<semaphore_mem>>
        %dma_wait3A_171 = tpu.memref_squeeze %dma_wait3A_170 : memref<1x!tpu.dma_semaphore, #tpu.memory_space<semaphore_mem>> -> memref<!tpu.dma_semaphore, #tpu.memory_space<semaphore_mem>>
        tpu.wait_indirect_dma semaphore(%dma_wait3A_171 : memref<!tpu.dma_semaphore, #tpu.memory_space<semaphore_mem>>) src(%dma_wait3A_163 : memref<128x64xf32, #tpu.memory_space<vmem>>) dst(%dma_wait3A_169 : memref<10240x64xf32, #tpu.memory_space<vmem_shared>>)
      } else {
      }
      %lt3A_92 = arith.constant 78 : i32
      %lt3A_93 = arith.cmpi slt, %scan3A_50, %lt3A_92 : i32
      %convert_element_type3A_94 = arith.extui %lt3A_93 : i1 to i32
      %cond3A_95 = arith.constant 0 : i32
      %cond3A_96 = arith.cmpi ne, %convert_element_type3A_94, %cond3A_95 : i32
      scf.if %cond3A_96 {
        %add3A_124 = arith.constant 1 : i32
        %add3A_125 = arith.addi %scan3A_50, %add3A_124 : i32
        %add3A_126 = arith.constant 1 : i32
        %add3A_127 = arith.addi %scan3A_50, %add3A_126 : i32
        %jit3A_128 = arith.constant 3 : i32
        %eq3A_129 = arith.constant 0 : i32
        %eq3A_130 = arith.cmpi eq, %jit3A_128, %eq3A_129 : i32
        %jit3A_131 = arith.constant 1 : i32
        %select_n3A_132 = arith.select %eq3A_130, %jit3A_131, %jit3A_128 : i32
        %rem3A_133 = arith.remsi %add3A_127, %select_n3A_132 : i32
        %ne3A_134 = arith.constant 0 : i32
        %ne3A_135 = arith.cmpi ne, %rem3A_133, %ne3A_134 : i32
        %lt3A_136 = arith.constant 0 : i32
        %lt3A_137 = arith.cmpi slt, %rem3A_133, %lt3A_136 : i32
        %lt3A_138 = arith.constant 0 : i32
        %lt3A_139 = arith.cmpi slt, %select_n3A_132, %lt3A_138 : i32
        %ne3A_140 = arith.xori %lt3A_137, %lt3A_139 : i1
        %and3A_141 = arith.andi %ne3A_140, %ne3A_135 : i1
        %add3A_142 = arith.addi %rem3A_133, %select_n3A_132 : i32
        %select_n3A_143 = arith.select %and3A_141, %add3A_142, %rem3A_133 : i32
        %mul3A_144 = arith.constant 128 : i32
        %mul3A_145 = arith.muli %select_n3A_143, %mul3A_144 : i32
        %multiple_of3A_146 = tpu.assume_multiple %mul3A_145, 128 : i32
        %add3A_147 = arith.constant 1 : i32
        %add3A_148 = arith.addi %scan3A_50, %add3A_147 : i32
        %jit3A_149 = arith.constant 2 : i32
        %eq3A_150 = arith.constant 0 : i32
        %eq3A_151 = arith.cmpi eq, %jit3A_149, %eq3A_150 : i32
        %jit3A_152 = arith.constant 1 : i32
        %select_n3A_153 = arith.select %eq3A_151, %jit3A_152, %jit3A_149 : i32
        %rem3A_154 = arith.remsi %add3A_148, %select_n3A_153 : i32
        %ne3A_155 = arith.constant 0 : i32
        %ne3A_156 = arith.cmpi ne, %rem3A_154, %ne3A_155 : i32
        %lt3A_157 = arith.constant 0 : i32
        %lt3A_158 = arith.cmpi slt, %rem3A_154, %lt3A_157 : i32
        %lt3A_159 = arith.constant 0 : i32
        %lt3A_160 = arith.cmpi slt, %select_n3A_153, %lt3A_159 : i32
        %ne3A_161 = arith.xori %lt3A_158, %lt3A_160 : i1
        %and3A_162 = arith.andi %ne3A_161, %ne3A_156 : i1
        %add3A_163 = arith.addi %rem3A_154, %select_n3A_153 : i32
        %select_n3A_164 = arith.select %and3A_162, %add3A_163, %rem3A_154 : i32
        %dma_start3A_165 = arith.constant 0 : i32
        %dma_start3A_166 = tpu.memref_slice %arg9[%multiple_of3A_146, %dma_start3A_165] : memref<384x64xf32, #tpu.memory_space<vmem>> -> memref<128x64xf32, #tpu.memory_space<vmem>>
        %dma_start3A_167 = arith.constant 0 : i32
        %dma_start3A_168 = tpu.memref_slice %arg7[%add3A_125, %dma_start3A_167] : memref<79x128xi32, #tpu.memory_space<vmem>> -> memref<1x128xi32, #tpu.memory_space<vmem>>
        %dma_start3A_169 = tpu.memref_squeeze %dma_start3A_168 : memref<1x128xi32, #tpu.memory_space<vmem>> -> memref<128xi32, #tpu.memory_space<vmem>>
        %dma_start3A_170 = arith.constant 0 : i32
        %dma_start3A_171 = arith.constant 0 : i32
        %dma_start3A_172 = tpu.memref_slice %arg11[%dma_start3A_170, %dma_start3A_171] : memref<10240x64xf32, #tpu.memory_space<vmem_shared>> -> memref<10240x64xf32, #tpu.memory_space<vmem_shared>>
        %dma_start3A_173 = tpu.memref_slice %arg12[%select_n3A_164] : memref<2x!tpu.dma_semaphore, #tpu.memory_space<semaphore_mem>> -> memref<1x!tpu.dma_semaphore, #tpu.memory_space<semaphore_mem>>
        %dma_start3A_174 = tpu.memref_squeeze %dma_start3A_173 : memref<1x!tpu.dma_semaphore, #tpu.memory_space<semaphore_mem>> -> memref<!tpu.dma_semaphore, #tpu.memory_space<semaphore_mem>>
        tpu.enqueue_indirect_dma source(%dma_start3A_172 : memref<10240x64xf32, #tpu.memory_space<vmem_shared>>) target(%dma_start3A_166 : memref<128x64xf32, #tpu.memory_space<vmem>>) offsets(%dma_start3A_169 : memref<128xi32, #tpu.memory_space<vmem>>) semaphore(%dma_start3A_174 : memref<!tpu.dma_semaphore, #tpu.memory_space<semaphore_mem>>)
      } else {
      }
      %jit3A_97 = arith.constant 2 : i32
      %eq3A_98 = arith.constant 0 : i32
      %eq3A_99 = arith.cmpi eq, %jit3A_97, %eq3A_98 : i32
      %jit3A_100 = arith.constant 1 : i32
      %select_n3A_101 = arith.select %eq3A_99, %jit3A_100, %jit3A_97 : i32
      %rem3A_102 = arith.remsi %scan3A_50, %select_n3A_101 : i32
      %ne3A_103 = arith.constant 0 : i32
      %ne3A_104 = arith.cmpi ne, %rem3A_102, %ne3A_103 : i32
      %lt3A_105 = arith.constant 0 : i32
      %lt3A_106 = arith.cmpi slt, %rem3A_102, %lt3A_105 : i32
      %lt3A_107 = arith.constant 0 : i32
      %lt3A_108 = arith.cmpi slt, %select_n3A_101, %lt3A_107 : i32
      %ne3A_109 = arith.xori %lt3A_106, %lt3A_108 : i1
      %and3A_110 = arith.andi %ne3A_109, %ne3A_104 : i1
      %add3A_111 = arith.addi %rem3A_102, %select_n3A_101 : i32
      %select_n3A_112 = arith.select %and3A_110, %add3A_111, %rem3A_102 : i32
      %dma_start3A_113 = arith.constant 0 : i32
      %dma_start3A_114 = tpu.memref_slice %arg9[%multiple_of3A_63, %dma_start3A_113] : memref<384x64xf32, #tpu.memory_space<vmem>> -> memref<128x64xf32, #tpu.memory_space<vmem>>
      %dma_start3A_115 = arith.constant 0 : i32
      %dma_start3A_116 = tpu.memref_slice %arg8[%scan3A_50, %dma_start3A_115] : memref<79x128xi32, #tpu.memory_space<vmem>> -> memref<1x128xi32, #tpu.memory_space<vmem>>
      %dma_start3A_117 = tpu.memref_squeeze %dma_start3A_116 : memref<1x128xi32, #tpu.memory_space<vmem>> -> memref<128xi32, #tpu.memory_space<vmem>>
      %dma_start3A_118 = arith.constant 0 : i32
      %dma_start3A_119 = arith.constant 0 : i32
      %dma_start3A_120 = tpu.memref_slice %arg10[%dma_start3A_118, %dma_start3A_119] : memref<10240x64xf32, #tpu.memory_space<vmem_shared>> -> memref<10240x64xf32, #tpu.memory_space<vmem_shared>>
      %dma_start3A_121 = tpu.memref_slice %arg13[%select_n3A_112] : memref<2x!tpu.dma_semaphore, #tpu.memory_space<semaphore_mem>> -> memref<1x!tpu.dma_semaphore, #tpu.memory_space<semaphore_mem>>
      %dma_start3A_122 = tpu.memref_squeeze %dma_start3A_121 : memref<1x!tpu.dma_semaphore, #tpu.memory_space<semaphore_mem>> -> memref<!tpu.dma_semaphore, #tpu.memory_space<semaphore_mem>>
      tpu.enqueue_indirect_dma source(%dma_start3A_114 : memref<128x64xf32, #tpu.memory_space<vmem>>) target(%dma_start3A_120 : memref<10240x64xf32, #tpu.memory_space<vmem_shared>>) offsets(%dma_start3A_117 : memref<128xi32, #tpu.memory_space<vmem>>) semaphore(%dma_start3A_122 : memref<!tpu.dma_semaphore, #tpu.memory_space<semaphore_mem>>) {add = true}
      %scan3A_123 = arith.constant 0 : i32
      scf.yield %scan3A_123 : i32
    }
    %scan3A_21 = arith.constant 79 : i32
    %multiple_of3A_22 = arith.constant 256 : i32
    %multiple_of3A_23 = tpu.assume_multiple %multiple_of3A_22, 128 : i32
    %dma_wait3A = arith.constant 77 : i32
    %dma_wait3A_24 = arith.constant 1 : i32
    %dma_wait3A_25 = arith.constant 0 : i32
    %dma_wait3A_26 = tpu.memref_slice %arg9[%multiple_of3A_23, %dma_wait3A_25] : memref<384x64xf32, #tpu.memory_space<vmem>> -> memref<128x64xf32, #tpu.memory_space<vmem>>
    %dma_wait3A_27 = arith.constant 0 : i32
    %dma_wait3A_28 = tpu.memref_slice %arg8[%dma_wait3A, %dma_wait3A_27] : memref<79x128xi32, #tpu.memory_space<vmem>> -> memref<1x128xi32, #tpu.memory_space<vmem>>
    %dma_wait3A_29 = tpu.memref_squeeze %dma_wait3A_28 : memref<1x128xi32, #tpu.memory_space<vmem>> -> memref<128xi32, #tpu.memory_space<vmem>>
    %dma_wait3A_30 = arith.constant 0 : i32
    %dma_wait3A_31 = arith.constant 0 : i32
    %dma_wait3A_32 = tpu.memref_slice %arg10[%dma_wait3A_30, %dma_wait3A_31] : memref<10240x64xf32, #tpu.memory_space<vmem_shared>> -> memref<10240x64xf32, #tpu.memory_space<vmem_shared>>
    %dma_wait3A_33 = tpu.memref_slice %arg13[%dma_wait3A_24] : memref<2x!tpu.dma_semaphore, #tpu.memory_space<semaphore_mem>> -> memref<1x!tpu.dma_semaphore, #tpu.memory_space<semaphore_mem>>
    %dma_wait3A_34 = tpu.memref_squeeze %dma_wait3A_33 : memref<1x!tpu.dma_semaphore, #tpu.memory_space<semaphore_mem>> -> memref<!tpu.dma_semaphore, #tpu.memory_space<semaphore_mem>>
    tpu.wait_indirect_dma semaphore(%dma_wait3A_34 : memref<!tpu.dma_semaphore, #tpu.memory_space<semaphore_mem>>) src(%dma_wait3A_26 : memref<128x64xf32, #tpu.memory_space<vmem>>) dst(%dma_wait3A_32 : memref<10240x64xf32, #tpu.memory_space<vmem_shared>>)
    %multiple_of3A_35 = arith.constant 0 : i32
    %multiple_of3A_36 = tpu.assume_multiple %multiple_of3A_35, 128 : i32
    %dma_wait3A_37 = arith.constant 78 : i32
    %dma_wait3A_38 = arith.constant 0 : i32
    %dma_wait3A_39 = arith.constant 0 : i32
    %dma_wait3A_40 = tpu.memref_slice %arg9[%multiple_of3A_36, %dma_wait3A_39] : memref<384x64xf32, #tpu.memory_space<vmem>> -> memref<128x64xf32, #tpu.memory_space<vmem>>
    %dma_wait3A_41 = arith.constant 0 : i32
    %dma_wait3A_42 = tpu.memref_slice %arg8[%dma_wait3A_37, %dma_wait3A_41] : memref<79x128xi32, #tpu.memory_space<vmem>> -> memref<1x128xi32, #tpu.memory_space<vmem>>
    %dma_wait3A_43 = tpu.memref_squeeze %dma_wait3A_42 : memref<1x128xi32, #tpu.memory_space<vmem>> -> memref<128xi32, #tpu.memory_space<vmem>>
    %dma_wait3A_44 = arith.constant 0 : i32
    %dma_wait3A_45 = arith.constant 0 : i32
    %dma_wait3A_46 = tpu.memref_slice %arg10[%dma_wait3A_44, %dma_wait3A_45] : memref<10240x64xf32, #tpu.memory_space<vmem_shared>> -> memref<10240x64xf32, #tpu.memory_space<vmem_shared>>
    %dma_wait3A_47 = tpu.memref_slice %arg13[%dma_wait3A_38] : memref<2x!tpu.dma_semaphore, #tpu.memory_space<semaphore_mem>> -> memref<1x!tpu.dma_semaphore, #tpu.memory_space<semaphore_mem>>
    %dma_wait3A_48 = tpu.memref_squeeze %dma_wait3A_47 : memref<1x!tpu.dma_semaphore, #tpu.memory_space<semaphore_mem>> -> memref<!tpu.dma_semaphore, #tpu.memory_space<semaphore_mem>>
    tpu.wait_indirect_dma semaphore(%dma_wait3A_48 : memref<!tpu.dma_semaphore, #tpu.memory_space<semaphore_mem>>) src(%dma_wait3A_40 : memref<128x64xf32, #tpu.memory_space<vmem>>) dst(%dma_wait3A_46 : memref<10240x64xf32, #tpu.memory_space<vmem_shared>>)
    %barrier3A_49 = arith.constant 0 : index
    tpu.barrier barrier_id(%barrier3A_49)
    "tpu.region"() ({
      %run_scoped3A = tpu.sem_alloc : memref<!tpu.dma_semaphore, #tpu.memory_space<semaphore_mem>>
      %dma_start3A_50 = arith.constant 0 : i32
      %dma_start3A_51 = tpu.memref_slice %arg6[%arg0, %multiple_of3A, %dma_start3A_50] : memref<2x10240x64xf32, #tpu.memory_space<hbm>> -> memref<1x640x64xf32, #tpu.memory_space<hbm>>
      %dma_start3A_52 = tpu.memref_squeeze %dma_start3A_51 : memref<1x640x64xf32, #tpu.memory_space<hbm>> -> memref<640x64xf32, #tpu.memory_space<hbm>>
      %dma_start3A_53 = arith.constant 0 : i32
      %dma_start3A_54 = tpu.memref_slice %arg10[%multiple_of3A, %dma_start3A_53] : memref<10240x64xf32, #tpu.memory_space<vmem_shared>> -> memref<640x64xf32, #tpu.memory_space<vmem_shared>>
      tpu.enqueue_dma source(%dma_start3A_54 : memref<640x64xf32, #tpu.memory_space<vmem_shared>>) target(%dma_start3A_52 : memref<640x64xf32, #tpu.memory_space<hbm>>) target_semaphore(%run_scoped3A : memref<!tpu.dma_semaphore, #tpu.memory_space<semaphore_mem>>)
      %dma_wait3A_55 = arith.constant 0 : i32
      %dma_wait3A_56 = tpu.memref_slice %arg6[%arg0, %multiple_of3A, %dma_wait3A_55] : memref<2x10240x64xf32, #tpu.memory_space<hbm>> -> memref<1x640x64xf32, #tpu.memory_space<hbm>>
      %dma_wait3A_57 = tpu.memref_squeeze %dma_wait3A_56 : memref<1x640x64xf32, #tpu.memory_space<hbm>> -> memref<640x64xf32, #tpu.memory_space<hbm>>
      %dma_wait3A_58 = arith.constant 0 : i32
      %dma_wait3A_59 = tpu.memref_slice %arg10[%multiple_of3A, %dma_wait3A_58] : memref<10240x64xf32, #tpu.memory_space<vmem_shared>> -> memref<640x64xf32, #tpu.memory_space<vmem_shared>>
      tpu.wait_dma2 semaphore(%run_scoped3A : memref<!tpu.dma_semaphore, #tpu.memory_space<semaphore_mem>>) src(%dma_wait3A_59 : memref<640x64xf32, #tpu.memory_space<vmem_shared>>) dst(%dma_wait3A_57 : memref<640x64xf32, #tpu.memory_space<hbm>>)
      tpu.yield
    }) : () -> ()
    return
  }
}

#map = affine_map<(d0, d1) -> (0, 0)>
#map1 = affine_map<(d0, d1) -> (0, 0, 0)>
module attributes {stable_mosaic.version = 14 : i64} {
  func.func @_agg_body(%arg0: i32, %arg1: i32, %arg2: memref<10240x64xf32, #tpu.memory_space<hbm>>, %arg3: memref<10240x64xf32, #tpu.memory_space<hbm>>, %arg4: memref<32x79x128xi32, #tpu.memory_space<hbm>>, %arg5: memref<32x79x128xi32, #tpu.memory_space<hbm>>, %arg6: memref<2x10240x64xf32, #tpu.memory_space<hbm>>, %arg7: memref<79x128xi32, #tpu.memory_space<vmem>>, %arg8: memref<79x128xi32, #tpu.memory_space<vmem>>, %arg9: memref<384x64xf32, #tpu.memory_space<vmem>>, %arg10: memref<10240x64xf32, #tpu.memory_space<vmem_shared>>, %arg11: memref<10240x64xf32, #tpu.memory_space<vmem_shared>>, %arg12: memref<2x!tpu.dma_semaphore, #tpu.memory_space<semaphore_mem>>, %arg13: memref<2x!tpu.dma_semaphore, #tpu.memory_space<semaphore_mem>>) attributes {dimension_semantics = [#tpu.dimension_semantics<core_parallel>, #tpu.dimension_semantics<subcore_parallel>], iteration_bounds = array<i64: 2, 16>, scalar_prefetch = 0 : i64, scratch_operands = 7 : i64, tpu.core_type = #tpu.core_type<sc_vector_subcore>, window_params = [{transform_indices = #map}, {transform_indices = #map}, {transform_indices = #map1}, {transform_indices = #map1}, {transform_indices = #map1}]} {
    %mul3A = arith.constant 16 : i32
    %mul3A_0 = arith.muli %arg0, %mul3A : i32
    %add3A = arith.addi %mul3A_0, %arg1 : i32
    %mul3A_1 = arith.constant 640 : i32
    %mul3A_2 = arith.muli %arg1, %mul3A_1 : i32
    %multiple_of3A = tpu.assume_multiple %mul3A_2, 640 : i32
    "tpu.region"() ({
      %run_scoped3A = tpu.sem_alloc : memref<!tpu.dma_semaphore, #tpu.memory_space<semaphore_mem>>
      %dma_start3A_50 = arith.constant 0 : i32
      %dma_start3A_51 = tpu.memref_slice %arg10[%multiple_of3A, %dma_start3A_50] : memref<10240x64xf32, #tpu.memory_space<vmem_shared>> -> memref<640x64xf32, #tpu.memory_space<vmem_shared>>
      %dma_start3A_52 = arith.constant 0 : i32
      %dma_start3A_53 = tpu.memref_slice %arg3[%multiple_of3A, %dma_start3A_52] : memref<10240x64xf32, #tpu.memory_space<hbm>> -> memref<640x64xf32, #tpu.memory_space<hbm>>
      tpu.enqueue_dma source(%dma_start3A_53 : memref<640x64xf32, #tpu.memory_space<hbm>>) target(%dma_start3A_51 : memref<640x64xf32, #tpu.memory_space<vmem_shared>>) target_semaphore(%run_scoped3A : memref<!tpu.dma_semaphore, #tpu.memory_space<semaphore_mem>>)
      %dma_wait3A_54 = arith.constant 0 : i32
      %dma_wait3A_55 = tpu.memref_slice %arg10[%multiple_of3A, %dma_wait3A_54] : memref<10240x64xf32, #tpu.memory_space<vmem_shared>> -> memref<640x64xf32, #tpu.memory_space<vmem_shared>>
      %dma_wait3A_56 = arith.constant 0 : i32
      %dma_wait3A_57 = tpu.memref_slice %arg3[%multiple_of3A, %dma_wait3A_56] : memref<10240x64xf32, #tpu.memory_space<hbm>> -> memref<640x64xf32, #tpu.memory_space<hbm>>
      tpu.wait_dma2 semaphore(%run_scoped3A : memref<!tpu.dma_semaphore, #tpu.memory_space<semaphore_mem>>) src(%dma_wait3A_57 : memref<640x64xf32, #tpu.memory_space<hbm>>) dst(%dma_wait3A_55 : memref<640x64xf32, #tpu.memory_space<vmem_shared>>)
      tpu.yield
    }) : () -> ()
    "tpu.region"() ({
      %run_scoped3A = tpu.sem_alloc : memref<!tpu.dma_semaphore, #tpu.memory_space<semaphore_mem>>
      %dma_start3A_50 = arith.constant 0 : i32
      %dma_start3A_51 = tpu.memref_slice %arg11[%multiple_of3A, %dma_start3A_50] : memref<10240x64xf32, #tpu.memory_space<vmem_shared>> -> memref<640x64xf32, #tpu.memory_space<vmem_shared>>
      %dma_start3A_52 = arith.constant 0 : i32
      %dma_start3A_53 = tpu.memref_slice %arg2[%multiple_of3A, %dma_start3A_52] : memref<10240x64xf32, #tpu.memory_space<hbm>> -> memref<640x64xf32, #tpu.memory_space<hbm>>
      tpu.enqueue_dma source(%dma_start3A_53 : memref<640x64xf32, #tpu.memory_space<hbm>>) target(%dma_start3A_51 : memref<640x64xf32, #tpu.memory_space<vmem_shared>>) target_semaphore(%run_scoped3A : memref<!tpu.dma_semaphore, #tpu.memory_space<semaphore_mem>>)
      %dma_wait3A_54 = arith.constant 0 : i32
      %dma_wait3A_55 = tpu.memref_slice %arg11[%multiple_of3A, %dma_wait3A_54] : memref<10240x64xf32, #tpu.memory_space<vmem_shared>> -> memref<640x64xf32, #tpu.memory_space<vmem_shared>>
      %dma_wait3A_56 = arith.constant 0 : i32
      %dma_wait3A_57 = tpu.memref_slice %arg2[%multiple_of3A, %dma_wait3A_56] : memref<10240x64xf32, #tpu.memory_space<hbm>> -> memref<640x64xf32, #tpu.memory_space<hbm>>
      tpu.wait_dma2 semaphore(%run_scoped3A : memref<!tpu.dma_semaphore, #tpu.memory_space<semaphore_mem>>) src(%dma_wait3A_57 : memref<640x64xf32, #tpu.memory_space<hbm>>) dst(%dma_wait3A_55 : memref<640x64xf32, #tpu.memory_space<vmem_shared>>)
      tpu.yield
    }) : () -> ()
    "tpu.region"() ({
      %run_scoped3A = tpu.sem_alloc : memref<!tpu.dma_semaphore, #tpu.memory_space<semaphore_mem>>
      %dma_start3A_50 = arith.constant 0 : i32
      %dma_start3A_51 = arith.constant 0 : i32
      %dma_start3A_52 = tpu.memref_slice %arg4[%add3A, %dma_start3A_50, %dma_start3A_51] : memref<32x79x128xi32, #tpu.memory_space<hbm>> -> memref<1x79x128xi32, #tpu.memory_space<hbm>>
      %dma_start3A_53 = tpu.memref_squeeze %dma_start3A_52 : memref<1x79x128xi32, #tpu.memory_space<hbm>> -> memref<79x128xi32, #tpu.memory_space<hbm>>
      %dma_start3A_54 = arith.constant 0 : i32
      %dma_start3A_55 = arith.constant 0 : i32
      %dma_start3A_56 = tpu.memref_slice %arg4[%add3A, %dma_start3A_54, %dma_start3A_55] : memref<32x79x128xi32, #tpu.memory_space<hbm>> -> memref<1x79x128xi32, #tpu.memory_space<hbm>>
      %dma_start3A_57 = tpu.memref_squeeze %dma_start3A_56 : memref<1x79x128xi32, #tpu.memory_space<hbm>> -> memref<79x128xi32, #tpu.memory_space<hbm>>
      tpu.enqueue_dma source(%dma_start3A_57 : memref<79x128xi32, #tpu.memory_space<hbm>>) target(%arg7 : memref<79x128xi32, #tpu.memory_space<vmem>>) target_semaphore(%run_scoped3A : memref<!tpu.dma_semaphore, #tpu.memory_space<semaphore_mem>>)
      %dma_wait3A_58 = arith.constant 0 : i32
      %dma_wait3A_59 = arith.constant 0 : i32
      %dma_wait3A_60 = tpu.memref_slice %arg4[%add3A, %dma_wait3A_58, %dma_wait3A_59] : memref<32x79x128xi32, #tpu.memory_space<hbm>> -> memref<1x79x128xi32, #tpu.memory_space<hbm>>
      %dma_wait3A_61 = tpu.memref_squeeze %dma_wait3A_60 : memref<1x79x128xi32, #tpu.memory_space<hbm>> -> memref<79x128xi32, #tpu.memory_space<hbm>>
      %dma_wait3A_62 = arith.constant 0 : i32
      %dma_wait3A_63 = arith.constant 0 : i32
      %dma_wait3A_64 = tpu.memref_slice %arg4[%add3A, %dma_wait3A_62, %dma_wait3A_63] : memref<32x79x128xi32, #tpu.memory_space<hbm>> -> memref<1x79x128xi32, #tpu.memory_space<hbm>>
      %dma_wait3A_65 = tpu.memref_squeeze %dma_wait3A_64 : memref<1x79x128xi32, #tpu.memory_space<hbm>> -> memref<79x128xi32, #tpu.memory_space<hbm>>
      tpu.wait_dma2 semaphore(%run_scoped3A : memref<!tpu.dma_semaphore, #tpu.memory_space<semaphore_mem>>) src(%dma_wait3A_65 : memref<79x128xi32, #tpu.memory_space<hbm>>) dst(%arg7 : memref<79x128xi32, #tpu.memory_space<vmem>>)
      tpu.yield
    }) : () -> ()
    "tpu.region"() ({
      %run_scoped3A = tpu.sem_alloc : memref<!tpu.dma_semaphore, #tpu.memory_space<semaphore_mem>>
      %dma_start3A_50 = arith.constant 0 : i32
      %dma_start3A_51 = arith.constant 0 : i32
      %dma_start3A_52 = tpu.memref_slice %arg5[%add3A, %dma_start3A_50, %dma_start3A_51] : memref<32x79x128xi32, #tpu.memory_space<hbm>> -> memref<1x79x128xi32, #tpu.memory_space<hbm>>
      %dma_start3A_53 = tpu.memref_squeeze %dma_start3A_52 : memref<1x79x128xi32, #tpu.memory_space<hbm>> -> memref<79x128xi32, #tpu.memory_space<hbm>>
      %dma_start3A_54 = arith.constant 0 : i32
      %dma_start3A_55 = arith.constant 0 : i32
      %dma_start3A_56 = tpu.memref_slice %arg5[%add3A, %dma_start3A_54, %dma_start3A_55] : memref<32x79x128xi32, #tpu.memory_space<hbm>> -> memref<1x79x128xi32, #tpu.memory_space<hbm>>
      %dma_start3A_57 = tpu.memref_squeeze %dma_start3A_56 : memref<1x79x128xi32, #tpu.memory_space<hbm>> -> memref<79x128xi32, #tpu.memory_space<hbm>>
      tpu.enqueue_dma source(%dma_start3A_57 : memref<79x128xi32, #tpu.memory_space<hbm>>) target(%arg8 : memref<79x128xi32, #tpu.memory_space<vmem>>) target_semaphore(%run_scoped3A : memref<!tpu.dma_semaphore, #tpu.memory_space<semaphore_mem>>)
      %dma_wait3A_58 = arith.constant 0 : i32
      %dma_wait3A_59 = arith.constant 0 : i32
      %dma_wait3A_60 = tpu.memref_slice %arg5[%add3A, %dma_wait3A_58, %dma_wait3A_59] : memref<32x79x128xi32, #tpu.memory_space<hbm>> -> memref<1x79x128xi32, #tpu.memory_space<hbm>>
      %dma_wait3A_61 = tpu.memref_squeeze %dma_wait3A_60 : memref<1x79x128xi32, #tpu.memory_space<hbm>> -> memref<79x128xi32, #tpu.memory_space<hbm>>
      %dma_wait3A_62 = arith.constant 0 : i32
      %dma_wait3A_63 = arith.constant 0 : i32
      %dma_wait3A_64 = tpu.memref_slice %arg5[%add3A, %dma_wait3A_62, %dma_wait3A_63] : memref<32x79x128xi32, #tpu.memory_space<hbm>> -> memref<1x79x128xi32, #tpu.memory_space<hbm>>
      %dma_wait3A_65 = tpu.memref_squeeze %dma_wait3A_64 : memref<1x79x128xi32, #tpu.memory_space<hbm>> -> memref<79x128xi32, #tpu.memory_space<hbm>>
      tpu.wait_dma2 semaphore(%run_scoped3A : memref<!tpu.dma_semaphore, #tpu.memory_space<semaphore_mem>>) src(%dma_wait3A_65 : memref<79x128xi32, #tpu.memory_space<hbm>>) dst(%arg8 : memref<79x128xi32, #tpu.memory_space<vmem>>)
      tpu.yield
    }) : () -> ()
    %barrier3A = arith.constant 0 : index
    tpu.barrier barrier_id(%barrier3A)
    %multiple_of3A_3 = arith.constant 0 : i32
    %multiple_of3A_4 = tpu.assume_multiple %multiple_of3A_3, 128 : i32
    %dma_start3A = arith.constant 0 : i32
    %dma_start3A_5 = arith.constant 0 : i32
    %dma_start3A_6 = arith.constant 0 : i32
    %dma_start3A_7 = tpu.memref_slice %arg9[%multiple_of3A_4, %dma_start3A_6] : memref<384x64xf32, #tpu.memory_space<vmem>> -> memref<128x64xf32, #tpu.memory_space<vmem>>
    %dma_start3A_8 = arith.constant 0 : i32
    %dma_start3A_9 = tpu.memref_slice %arg7[%dma_start3A, %dma_start3A_8] : memref<79x128xi32, #tpu.memory_space<vmem>> -> memref<1x128xi32, #tpu.memory_space<vmem>>
    %dma_start3A_10 = tpu.memref_squeeze %dma_start3A_9 : memref<1x128xi32, #tpu.memory_space<vmem>> -> memref<128xi32, #tpu.memory_space<vmem>>
    %dma_start3A_11 = arith.constant 0 : i32
    %dma_start3A_12 = arith.constant 0 : i32
    %dma_start3A_13 = tpu.memref_slice %arg11[%dma_start3A_11, %dma_start3A_12] : memref<10240x64xf32, #tpu.memory_space<vmem_shared>> -> memref<10240x64xf32, #tpu.memory_space<vmem_shared>>
    %dma_start3A_14 = tpu.memref_slice %arg12[%dma_start3A_5] : memref<2x!tpu.dma_semaphore, #tpu.memory_space<semaphore_mem>> -> memref<1x!tpu.dma_semaphore, #tpu.memory_space<semaphore_mem>>
    %dma_start3A_15 = tpu.memref_squeeze %dma_start3A_14 : memref<1x!tpu.dma_semaphore, #tpu.memory_space<semaphore_mem>> -> memref<!tpu.dma_semaphore, #tpu.memory_space<semaphore_mem>>
    tpu.enqueue_indirect_dma source(%dma_start3A_13 : memref<10240x64xf32, #tpu.memory_space<vmem_shared>>) target(%dma_start3A_7 : memref<128x64xf32, #tpu.memory_space<vmem>>) offsets(%dma_start3A_10 : memref<128xi32, #tpu.memory_space<vmem>>) semaphore(%dma_start3A_15 : memref<!tpu.dma_semaphore, #tpu.memory_space<semaphore_mem>>)
    %scan3A = arith.constant 0 : i32
    %scan3A_16 = arith.constant 0 : i32
    %scan3A_17 = arith.constant 79 : i32
    %scan3A_18 = arith.addi %scan3A_16, %scan3A_17 : i32
    %scan3A_19 = arith.constant 1 : i32
    %scan3A_20 = scf.for %scan3A_50 = %scan3A_16 to %scan3A_18 step %scan3A_19 iter_args(%scan3A_51 = %scan3A) -> (i32)  : i32 {
      %jit3A = arith.constant 3 : i32
      %eq3A = arith.constant 0 : i32
      %eq3A_52 = arith.cmpi eq, %jit3A, %eq3A : i32
      %jit3A_53 = arith.constant 1 : i32
      %select_n3A = arith.select %eq3A_52, %jit3A_53, %jit3A : i32
      %rem3A = arith.remsi %scan3A_50, %select_n3A : i32
      %ne3A = arith.constant 0 : i32
      %ne3A_54 = arith.cmpi ne, %rem3A, %ne3A : i32
      %lt3A = arith.constant 0 : i32
      %lt3A_55 = arith.cmpi slt, %rem3A, %lt3A : i32
      %lt3A_56 = arith.constant 0 : i32
      %lt3A_57 = arith.cmpi slt, %select_n3A, %lt3A_56 : i32
      %ne3A_58 = arith.xori %lt3A_55, %lt3A_57 : i1
      %and3A = arith.andi %ne3A_58, %ne3A_54 : i1
      %add3A_59 = arith.addi %rem3A, %select_n3A : i32
      %select_n3A_60 = arith.select %and3A, %add3A_59, %rem3A : i32
      %mul3A_61 = arith.constant 128 : i32
      %mul3A_62 = arith.muli %select_n3A_60, %mul3A_61 : i32
      %multiple_of3A_63 = tpu.assume_multiple %mul3A_62, 128 : i32
      %jit3A_64 = arith.constant 2 : i32
      %eq3A_65 = arith.constant 0 : i32
      %eq3A_66 = arith.cmpi eq, %jit3A_64, %eq3A_65 : i32
      %jit3A_67 = arith.constant 1 : i32
      %select_n3A_68 = arith.select %eq3A_66, %jit3A_67, %jit3A_64 : i32
      %rem3A_69 = arith.remsi %scan3A_50, %select_n3A_68 : i32
      %ne3A_70 = arith.constant 0 : i32
      %ne3A_71 = arith.cmpi ne, %rem3A_69, %ne3A_70 : i32
      %lt3A_72 = arith.constant 0 : i32
      %lt3A_73 = arith.cmpi slt, %rem3A_69, %lt3A_72 : i32
      %lt3A_74 = arith.constant 0 : i32
      %lt3A_75 = arith.cmpi slt, %select_n3A_68, %lt3A_74 : i32
      %ne3A_76 = arith.xori %lt3A_73, %lt3A_75 : i1
      %and3A_77 = arith.andi %ne3A_76, %ne3A_71 : i1
      %add3A_78 = arith.addi %rem3A_69, %select_n3A_68 : i32
      %select_n3A_79 = arith.select %and3A_77, %add3A_78, %rem3A_69 : i32
      %dma_wait3A_80 = arith.constant 0 : i32
      %dma_wait3A_81 = tpu.memref_slice %arg9[%multiple_of3A_63, %dma_wait3A_80] : memref<384x64xf32, #tpu.memory_space<vmem>> -> memref<128x64xf32, #tpu.memory_space<vmem>>
      %dma_wait3A_82 = arith.constant 0 : i32
      %dma_wait3A_83 = tpu.memref_slice %arg7[%scan3A_50, %dma_wait3A_82] : memref<79x128xi32, #tpu.memory_space<vmem>> -> memref<1x128xi32, #tpu.memory_space<vmem>>
      %dma_wait3A_84 = tpu.memref_squeeze %dma_wait3A_83 : memref<1x128xi32, #tpu.memory_space<vmem>> -> memref<128xi32, #tpu.memory_space<vmem>>
      %dma_wait3A_85 = arith.constant 0 : i32
      %dma_wait3A_86 = arith.constant 0 : i32
      %dma_wait3A_87 = tpu.memref_slice %arg11[%dma_wait3A_85, %dma_wait3A_86] : memref<10240x64xf32, #tpu.memory_space<vmem_shared>> -> memref<10240x64xf32, #tpu.memory_space<vmem_shared>>
      %dma_wait3A_88 = tpu.memref_slice %arg12[%select_n3A_79] : memref<2x!tpu.dma_semaphore, #tpu.memory_space<semaphore_mem>> -> memref<1x!tpu.dma_semaphore, #tpu.memory_space<semaphore_mem>>
      %dma_wait3A_89 = tpu.memref_squeeze %dma_wait3A_88 : memref<1x!tpu.dma_semaphore, #tpu.memory_space<semaphore_mem>> -> memref<!tpu.dma_semaphore, #tpu.memory_space<semaphore_mem>>
      tpu.wait_indirect_dma semaphore(%dma_wait3A_89 : memref<!tpu.dma_semaphore, #tpu.memory_space<semaphore_mem>>) src(%dma_wait3A_87 : memref<10240x64xf32, #tpu.memory_space<vmem_shared>>) dst(%dma_wait3A_81 : memref<128x64xf32, #tpu.memory_space<vmem>>)
      %ge3A = arith.constant 2 : i32
      %ge3A_90 = arith.cmpi sge, %scan3A_50, %ge3A : i32
      %convert_element_type3A = arith.extui %ge3A_90 : i1 to i32
      %cond3A = arith.constant 0 : i32
      %cond3A_91 = arith.cmpi ne, %convert_element_type3A, %cond3A : i32
      scf.if %cond3A_91 {
        %sub3A = arith.constant 2 : i32
        %sub3A_124 = arith.subi %scan3A_50, %sub3A : i32
        %jit3A_125 = arith.constant 3 : i32
        %eq3A_126 = arith.constant 0 : i32
        %eq3A_127 = arith.cmpi eq, %jit3A_125, %eq3A_126 : i32
        %jit3A_128 = arith.constant 1 : i32
        %select_n3A_129 = arith.select %eq3A_127, %jit3A_128, %jit3A_125 : i32
        %rem3A_130 = arith.remsi %sub3A_124, %select_n3A_129 : i32
        %ne3A_131 = arith.constant 0 : i32
        %ne3A_132 = arith.cmpi ne, %rem3A_130, %ne3A_131 : i32
        %lt3A_133 = arith.constant 0 : i32
        %lt3A_134 = arith.cmpi slt, %rem3A_130, %lt3A_133 : i32
        %lt3A_135 = arith.constant 0 : i32
        %lt3A_136 = arith.cmpi slt, %select_n3A_129, %lt3A_135 : i32
        %ne3A_137 = arith.xori %lt3A_134, %lt3A_136 : i1
        %and3A_138 = arith.andi %ne3A_137, %ne3A_132 : i1
        %add3A_139 = arith.addi %rem3A_130, %select_n3A_129 : i32
        %select_n3A_140 = arith.select %and3A_138, %add3A_139, %rem3A_130 : i32
        %mul3A_141 = arith.constant 128 : i32
        %mul3A_142 = arith.muli %select_n3A_140, %mul3A_141 : i32
        %multiple_of3A_143 = tpu.assume_multiple %mul3A_142, 128 : i32
        %sub3A_144 = arith.constant 2 : i32
        %sub3A_145 = arith.subi %scan3A_50, %sub3A_144 : i32
        %jit3A_146 = arith.constant 2 : i32
        %eq3A_147 = arith.constant 0 : i32
        %eq3A_148 = arith.cmpi eq, %jit3A_146, %eq3A_147 : i32
        %jit3A_149 = arith.constant 1 : i32
        %select_n3A_150 = arith.select %eq3A_148, %jit3A_149, %jit3A_146 : i32
        %rem3A_151 = arith.remsi %scan3A_50, %select_n3A_150 : i32
        %ne3A_152 = arith.constant 0 : i32
        %ne3A_153 = arith.cmpi ne, %rem3A_151, %ne3A_152 : i32
        %lt3A_154 = arith.constant 0 : i32
        %lt3A_155 = arith.cmpi slt, %rem3A_151, %lt3A_154 : i32
        %lt3A_156 = arith.constant 0 : i32
        %lt3A_157 = arith.cmpi slt, %select_n3A_150, %lt3A_156 : i32
        %ne3A_158 = arith.xori %lt3A_155, %lt3A_157 : i1
        %and3A_159 = arith.andi %ne3A_158, %ne3A_153 : i1
        %add3A_160 = arith.addi %rem3A_151, %select_n3A_150 : i32
        %select_n3A_161 = arith.select %and3A_159, %add3A_160, %rem3A_151 : i32
        %dma_wait3A_162 = arith.constant 0 : i32
        %dma_wait3A_163 = tpu.memref_slice %arg9[%multiple_of3A_143, %dma_wait3A_162] : memref<384x64xf32, #tpu.memory_space<vmem>> -> memref<128x64xf32, #tpu.memory_space<vmem>>
        %dma_wait3A_164 = arith.constant 0 : i32
        %dma_wait3A_165 = tpu.memref_slice %arg8[%sub3A_145, %dma_wait3A_164] : memref<79x128xi32, #tpu.memory_space<vmem>> -> memref<1x128xi32, #tpu.memory_space<vmem>>
        %dma_wait3A_166 = tpu.memref_squeeze %dma_wait3A_165 : memref<1x128xi32, #tpu.memory_space<vmem>> -> memref<128xi32, #tpu.memory_space<vmem>>
        %dma_wait3A_167 = arith.constant 0 : i32
        %dma_wait3A_168 = arith.constant 0 : i32
        %dma_wait3A_169 = tpu.memref_slice %arg10[%dma_wait3A_167, %dma_wait3A_168] : memref<10240x64xf32, #tpu.memory_space<vmem_shared>> -> memref<10240x64xf32, #tpu.memory_space<vmem_shared>>
        %dma_wait3A_170 = tpu.memref_slice %arg13[%select_n3A_161] : memref<2x!tpu.dma_semaphore, #tpu.memory_space<semaphore_mem>> -> memref<1x!tpu.dma_semaphore, #tpu.memory_space<semaphore_mem>>
        %dma_wait3A_171 = tpu.memref_squeeze %dma_wait3A_170 : memref<1x!tpu.dma_semaphore, #tpu.memory_space<semaphore_mem>> -> memref<!tpu.dma_semaphore, #tpu.memory_space<semaphore_mem>>
        tpu.wait_indirect_dma semaphore(%dma_wait3A_171 : memref<!tpu.dma_semaphore, #tpu.memory_space<semaphore_mem>>) src(%dma_wait3A_163 : memref<128x64xf32, #tpu.memory_space<vmem>>) dst(%dma_wait3A_169 : memref<10240x64xf32, #tpu.memory_space<vmem_shared>>)
      } else {
      }
      %lt3A_92 = arith.constant 78 : i32
      %lt3A_93 = arith.cmpi slt, %scan3A_50, %lt3A_92 : i32
      %convert_element_type3A_94 = arith.extui %lt3A_93 : i1 to i32
      %cond3A_95 = arith.constant 0 : i32
      %cond3A_96 = arith.cmpi ne, %convert_element_type3A_94, %cond3A_95 : i32
      scf.if %cond3A_96 {
        %add3A_124 = arith.constant 1 : i32
        %add3A_125 = arith.addi %scan3A_50, %add3A_124 : i32
        %add3A_126 = arith.constant 1 : i32
        %add3A_127 = arith.addi %scan3A_50, %add3A_126 : i32
        %jit3A_128 = arith.constant 3 : i32
        %eq3A_129 = arith.constant 0 : i32
        %eq3A_130 = arith.cmpi eq, %jit3A_128, %eq3A_129 : i32
        %jit3A_131 = arith.constant 1 : i32
        %select_n3A_132 = arith.select %eq3A_130, %jit3A_131, %jit3A_128 : i32
        %rem3A_133 = arith.remsi %add3A_127, %select_n3A_132 : i32
        %ne3A_134 = arith.constant 0 : i32
        %ne3A_135 = arith.cmpi ne, %rem3A_133, %ne3A_134 : i32
        %lt3A_136 = arith.constant 0 : i32
        %lt3A_137 = arith.cmpi slt, %rem3A_133, %lt3A_136 : i32
        %lt3A_138 = arith.constant 0 : i32
        %lt3A_139 = arith.cmpi slt, %select_n3A_132, %lt3A_138 : i32
        %ne3A_140 = arith.xori %lt3A_137, %lt3A_139 : i1
        %and3A_141 = arith.andi %ne3A_140, %ne3A_135 : i1
        %add3A_142 = arith.addi %rem3A_133, %select_n3A_132 : i32
        %select_n3A_143 = arith.select %and3A_141, %add3A_142, %rem3A_133 : i32
        %mul3A_144 = arith.constant 128 : i32
        %mul3A_145 = arith.muli %select_n3A_143, %mul3A_144 : i32
        %multiple_of3A_146 = tpu.assume_multiple %mul3A_145, 128 : i32
        %add3A_147 = arith.constant 1 : i32
        %add3A_148 = arith.addi %scan3A_50, %add3A_147 : i32
        %jit3A_149 = arith.constant 2 : i32
        %eq3A_150 = arith.constant 0 : i32
        %eq3A_151 = arith.cmpi eq, %jit3A_149, %eq3A_150 : i32
        %jit3A_152 = arith.constant 1 : i32
        %select_n3A_153 = arith.select %eq3A_151, %jit3A_152, %jit3A_149 : i32
        %rem3A_154 = arith.remsi %add3A_148, %select_n3A_153 : i32
        %ne3A_155 = arith.constant 0 : i32
        %ne3A_156 = arith.cmpi ne, %rem3A_154, %ne3A_155 : i32
        %lt3A_157 = arith.constant 0 : i32
        %lt3A_158 = arith.cmpi slt, %rem3A_154, %lt3A_157 : i32
        %lt3A_159 = arith.constant 0 : i32
        %lt3A_160 = arith.cmpi slt, %select_n3A_153, %lt3A_159 : i32
        %ne3A_161 = arith.xori %lt3A_158, %lt3A_160 : i1
        %and3A_162 = arith.andi %ne3A_161, %ne3A_156 : i1
        %add3A_163 = arith.addi %rem3A_154, %select_n3A_153 : i32
        %select_n3A_164 = arith.select %and3A_162, %add3A_163, %rem3A_154 : i32
        %dma_start3A_165 = arith.constant 0 : i32
        %dma_start3A_166 = tpu.memref_slice %arg9[%multiple_of3A_146, %dma_start3A_165] : memref<384x64xf32, #tpu.memory_space<vmem>> -> memref<128x64xf32, #tpu.memory_space<vmem>>
        %dma_start3A_167 = arith.constant 0 : i32
        %dma_start3A_168 = tpu.memref_slice %arg7[%add3A_125, %dma_start3A_167] : memref<79x128xi32, #tpu.memory_space<vmem>> -> memref<1x128xi32, #tpu.memory_space<vmem>>
        %dma_start3A_169 = tpu.memref_squeeze %dma_start3A_168 : memref<1x128xi32, #tpu.memory_space<vmem>> -> memref<128xi32, #tpu.memory_space<vmem>>
        %dma_start3A_170 = arith.constant 0 : i32
        %dma_start3A_171 = arith.constant 0 : i32
        %dma_start3A_172 = tpu.memref_slice %arg11[%dma_start3A_170, %dma_start3A_171] : memref<10240x64xf32, #tpu.memory_space<vmem_shared>> -> memref<10240x64xf32, #tpu.memory_space<vmem_shared>>
        %dma_start3A_173 = tpu.memref_slice %arg12[%select_n3A_164] : memref<2x!tpu.dma_semaphore, #tpu.memory_space<semaphore_mem>> -> memref<1x!tpu.dma_semaphore, #tpu.memory_space<semaphore_mem>>
        %dma_start3A_174 = tpu.memref_squeeze %dma_start3A_173 : memref<1x!tpu.dma_semaphore, #tpu.memory_space<semaphore_mem>> -> memref<!tpu.dma_semaphore, #tpu.memory_space<semaphore_mem>>
        tpu.enqueue_indirect_dma source(%dma_start3A_172 : memref<10240x64xf32, #tpu.memory_space<vmem_shared>>) target(%dma_start3A_166 : memref<128x64xf32, #tpu.memory_space<vmem>>) offsets(%dma_start3A_169 : memref<128xi32, #tpu.memory_space<vmem>>) semaphore(%dma_start3A_174 : memref<!tpu.dma_semaphore, #tpu.memory_space<semaphore_mem>>)
      } else {
      }
      %jit3A_97 = arith.constant 2 : i32
      %eq3A_98 = arith.constant 0 : i32
      %eq3A_99 = arith.cmpi eq, %jit3A_97, %eq3A_98 : i32
      %jit3A_100 = arith.constant 1 : i32
      %select_n3A_101 = arith.select %eq3A_99, %jit3A_100, %jit3A_97 : i32
      %rem3A_102 = arith.remsi %scan3A_50, %select_n3A_101 : i32
      %ne3A_103 = arith.constant 0 : i32
      %ne3A_104 = arith.cmpi ne, %rem3A_102, %ne3A_103 : i32
      %lt3A_105 = arith.constant 0 : i32
      %lt3A_106 = arith.cmpi slt, %rem3A_102, %lt3A_105 : i32
      %lt3A_107 = arith.constant 0 : i32
      %lt3A_108 = arith.cmpi slt, %select_n3A_101, %lt3A_107 : i32
      %ne3A_109 = arith.xori %lt3A_106, %lt3A_108 : i1
      %and3A_110 = arith.andi %ne3A_109, %ne3A_104 : i1
      %add3A_111 = arith.addi %rem3A_102, %select_n3A_101 : i32
      %select_n3A_112 = arith.select %and3A_110, %add3A_111, %rem3A_102 : i32
      %dma_start3A_113 = arith.constant 0 : i32
      %dma_start3A_114 = tpu.memref_slice %arg9[%multiple_of3A_63, %dma_start3A_113] : memref<384x64xf32, #tpu.memory_space<vmem>> -> memref<128x64xf32, #tpu.memory_space<vmem>>
      %dma_start3A_115 = arith.constant 0 : i32
      %dma_start3A_116 = tpu.memref_slice %arg8[%scan3A_50, %dma_start3A_115] : memref<79x128xi32, #tpu.memory_space<vmem>> -> memref<1x128xi32, #tpu.memory_space<vmem>>
      %dma_start3A_117 = tpu.memref_squeeze %dma_start3A_116 : memref<1x128xi32, #tpu.memory_space<vmem>> -> memref<128xi32, #tpu.memory_space<vmem>>
      %dma_start3A_118 = arith.constant 0 : i32
      %dma_start3A_119 = arith.constant 0 : i32
      %dma_start3A_120 = tpu.memref_slice %arg10[%dma_start3A_118, %dma_start3A_119] : memref<10240x64xf32, #tpu.memory_space<vmem_shared>> -> memref<10240x64xf32, #tpu.memory_space<vmem_shared>>
      %dma_start3A_121 = tpu.memref_slice %arg13[%select_n3A_112] : memref<2x!tpu.dma_semaphore, #tpu.memory_space<semaphore_mem>> -> memref<1x!tpu.dma_semaphore, #tpu.memory_space<semaphore_mem>>
      %dma_start3A_122 = tpu.memref_squeeze %dma_start3A_121 : memref<1x!tpu.dma_semaphore, #tpu.memory_space<semaphore_mem>> -> memref<!tpu.dma_semaphore, #tpu.memory_space<semaphore_mem>>
      tpu.enqueue_indirect_dma source(%dma_start3A_114 : memref<128x64xf32, #tpu.memory_space<vmem>>) target(%dma_start3A_120 : memref<10240x64xf32, #tpu.memory_space<vmem_shared>>) offsets(%dma_start3A_117 : memref<128xi32, #tpu.memory_space<vmem>>) semaphore(%dma_start3A_122 : memref<!tpu.dma_semaphore, #tpu.memory_space<semaphore_mem>>) {add = true}
      %scan3A_123 = arith.constant 0 : i32
      scf.yield %scan3A_123 : i32
    }
    %scan3A_21 = arith.constant 79 : i32
    %multiple_of3A_22 = arith.constant 256 : i32
    %multiple_of3A_23 = tpu.assume_multiple %multiple_of3A_22, 128 : i32
    %dma_wait3A = arith.constant 77 : i32
    %dma_wait3A_24 = arith.constant 1 : i32
    %dma_wait3A_25 = arith.constant 0 : i32
    %dma_wait3A_26 = tpu.memref_slice %arg9[%multiple_of3A_23, %dma_wait3A_25] : memref<384x64xf32, #tpu.memory_space<vmem>> -> memref<128x64xf32, #tpu.memory_space<vmem>>
    %dma_wait3A_27 = arith.constant 0 : i32
    %dma_wait3A_28 = tpu.memref_slice %arg8[%dma_wait3A, %dma_wait3A_27] : memref<79x128xi32, #tpu.memory_space<vmem>> -> memref<1x128xi32, #tpu.memory_space<vmem>>
    %dma_wait3A_29 = tpu.memref_squeeze %dma_wait3A_28 : memref<1x128xi32, #tpu.memory_space<vmem>> -> memref<128xi32, #tpu.memory_space<vmem>>
    %dma_wait3A_30 = arith.constant 0 : i32
    %dma_wait3A_31 = arith.constant 0 : i32
    %dma_wait3A_32 = tpu.memref_slice %arg10[%dma_wait3A_30, %dma_wait3A_31] : memref<10240x64xf32, #tpu.memory_space<vmem_shared>> -> memref<10240x64xf32, #tpu.memory_space<vmem_shared>>
    %dma_wait3A_33 = tpu.memref_slice %arg13[%dma_wait3A_24] : memref<2x!tpu.dma_semaphore, #tpu.memory_space<semaphore_mem>> -> memref<1x!tpu.dma_semaphore, #tpu.memory_space<semaphore_mem>>
    %dma_wait3A_34 = tpu.memref_squeeze %dma_wait3A_33 : memref<1x!tpu.dma_semaphore, #tpu.memory_space<semaphore_mem>> -> memref<!tpu.dma_semaphore, #tpu.memory_space<semaphore_mem>>
    tpu.wait_indirect_dma semaphore(%dma_wait3A_34 : memref<!tpu.dma_semaphore, #tpu.memory_space<semaphore_mem>>) src(%dma_wait3A_26 : memref<128x64xf32, #tpu.memory_space<vmem>>) dst(%dma_wait3A_32 : memref<10240x64xf32, #tpu.memory_space<vmem_shared>>)
    %multiple_of3A_35 = arith.constant 0 : i32
    %multiple_of3A_36 = tpu.assume_multiple %multiple_of3A_35, 128 : i32
    %dma_wait3A_37 = arith.constant 78 : i32
    %dma_wait3A_38 = arith.constant 0 : i32
    %dma_wait3A_39 = arith.constant 0 : i32
    %dma_wait3A_40 = tpu.memref_slice %arg9[%multiple_of3A_36, %dma_wait3A_39] : memref<384x64xf32, #tpu.memory_space<vmem>> -> memref<128x64xf32, #tpu.memory_space<vmem>>
    %dma_wait3A_41 = arith.constant 0 : i32
    %dma_wait3A_42 = tpu.memref_slice %arg8[%dma_wait3A_37, %dma_wait3A_41] : memref<79x128xi32, #tpu.memory_space<vmem>> -> memref<1x128xi32, #tpu.memory_space<vmem>>
    %dma_wait3A_43 = tpu.memref_squeeze %dma_wait3A_42 : memref<1x128xi32, #tpu.memory_space<vmem>> -> memref<128xi32, #tpu.memory_space<vmem>>
    %dma_wait3A_44 = arith.constant 0 : i32
    %dma_wait3A_45 = arith.constant 0 : i32
    %dma_wait3A_46 = tpu.memref_slice %arg10[%dma_wait3A_44, %dma_wait3A_45] : memref<10240x64xf32, #tpu.memory_space<vmem_shared>> -> memref<10240x64xf32, #tpu.memory_space<vmem_shared>>
    %dma_wait3A_47 = tpu.memref_slice %arg13[%dma_wait3A_38] : memref<2x!tpu.dma_semaphore, #tpu.memory_space<semaphore_mem>> -> memref<1x!tpu.dma_semaphore, #tpu.memory_space<semaphore_mem>>
    %dma_wait3A_48 = tpu.memref_squeeze %dma_wait3A_47 : memref<1x!tpu.dma_semaphore, #tpu.memory_space<semaphore_mem>> -> memref<!tpu.dma_semaphore, #tpu.memory_space<semaphore_mem>>
    tpu.wait_indirect_dma semaphore(%dma_wait3A_48 : memref<!tpu.dma_semaphore, #tpu.memory_space<semaphore_mem>>) src(%dma_wait3A_40 : memref<128x64xf32, #tpu.memory_space<vmem>>) dst(%dma_wait3A_46 : memref<10240x64xf32, #tpu.memory_space<vmem_shared>>)
    %barrier3A_49 = arith.constant 0 : index
    tpu.barrier barrier_id(%barrier3A_49)
    "tpu.region"() ({
      %run_scoped3A = tpu.sem_alloc : memref<!tpu.dma_semaphore, #tpu.memory_space<semaphore_mem>>
      %dma_start3A_50 = arith.constant 0 : i32
      %dma_start3A_51 = tpu.memref_slice %arg6[%arg0, %multiple_of3A, %dma_start3A_50] : memref<2x10240x64xf32, #tpu.memory_space<hbm>> -> memref<1x640x64xf32, #tpu.memory_space<hbm>>
      %dma_start3A_52 = tpu.memref_squeeze %dma_start3A_51 : memref<1x640x64xf32, #tpu.memory_space<hbm>> -> memref<640x64xf32, #tpu.memory_space<hbm>>
      %dma_start3A_53 = arith.constant 0 : i32
      %dma_start3A_54 = tpu.memref_slice %arg10[%multiple_of3A, %dma_start3A_53] : memref<10240x64xf32, #tpu.memory_space<vmem_shared>> -> memref<640x64xf32, #tpu.memory_space<vmem_shared>>
      tpu.enqueue_dma source(%dma_start3A_54 : memref<640x64xf32, #tpu.memory_space<vmem_shared>>) target(%dma_start3A_52 : memref<640x64xf32, #tpu.memory_space<hbm>>) target_semaphore(%run_scoped3A : memref<!tpu.dma_semaphore, #tpu.memory_space<semaphore_mem>>)
      %dma_wait3A_55 = arith.constant 0 : i32
      %dma_wait3A_56 = tpu.memref_slice %arg6[%arg0, %multiple_of3A, %dma_wait3A_55] : memref<2x10240x64xf32, #tpu.memory_space<hbm>> -> memref<1x640x64xf32, #tpu.memory_space<hbm>>
      %dma_wait3A_57 = tpu.memref_squeeze %dma_wait3A_56 : memref<1x640x64xf32, #tpu.memory_space<hbm>> -> memref<640x64xf32, #tpu.memory_space<hbm>>
      %dma_wait3A_58 = arith.constant 0 : i32
      %dma_wait3A_59 = tpu.memref_slice %arg10[%multiple_of3A, %dma_wait3A_58] : memref<10240x64xf32, #tpu.memory_space<vmem_shared>> -> memref<640x64xf32, #tpu.memory_space<vmem_shared>>
      tpu.wait_dma2 semaphore(%run_scoped3A : memref<!tpu.dma_semaphore, #tpu.memory_space<semaphore_mem>>) src(%dma_wait3A_59 : memref<640x64xf32, #tpu.memory_space<vmem_shared>>) dst(%dma_wait3A_57 : memref<640x64xf32, #tpu.memory_space<hbm>>)
      tpu.yield
    }) : () -> ()
    return
  }
}

module attributes {stable_mosaic.version = 14 : i64} {
  func.func @_mm1_body(%arg0: i32, %arg1: memref<2048x128xf32, #tpu.memory_space<vmem>>, %arg2: memref<128x64xf32, #tpu.memory_space<vmem>>, %arg3: memref<2x2048x1xf32, #tpu.memory_space<vmem>>, %arg4: memref<2x2048x1xf32, #tpu.memory_space<vmem>>, %arg5: memref<2048x64xf32, #tpu.memory_space<vmem>>, %arg6: memref<2048x1xf32, #tpu.memory_space<vmem>>, %arg7: memref<2048x1xf32, #tpu.memory_space<vmem>>) attributes {dimension_semantics = [#tpu.dimension_semantics<arbitrary>], iteration_bounds = array<i64: 5>, scalar_prefetch = 0 : i64, scratch_operands = 0 : i64, tpu.core_type = #tpu.core_type<tc>, window_params = [{transform_indices = @transform_0, window_bounds = array<i64: 2048, 128>}, {pipeline_mode = #tpu.pipeline_mode<synchronous>, transform_indices = @transform_1, window_bounds = array<i64: 128, 64>}, {transform_indices = @transform_2, window_bounds = array<i64: 2, 2048, 1>}, {transform_indices = @transform_3, window_bounds = array<i64: 2, 2048, 1>}, {transform_indices = @transform_4, window_bounds = array<i64: 2048, 64>}, {transform_indices = @transform_5, window_bounds = array<i64: 2048, 1>}, {transform_indices = @transform_6, window_bounds = array<i64: 2048, 1>}]} {
    %get3A = arith.constant 0 : index
    %get3A_0 = arith.constant 0 : index
    %get3A_1 = arith.constant 0 : index
    %get3A_2 = vector.load %arg3[%get3A, %get3A_0, %get3A_1] : memref<2x2048x1xf32, #tpu.memory_space<vmem>>, vector<1x2048x1xf32>
    %get3A_3 = vector.shape_cast %get3A_2 : vector<1x2048x1xf32> to vector<2048x1xf32>
    %get3A_4 = arith.constant 1 : index
    %get3A_5 = arith.constant 0 : index
    %get3A_6 = arith.constant 0 : index
    %get3A_7 = vector.load %arg3[%get3A_4, %get3A_5, %get3A_6] : memref<2x2048x1xf32, #tpu.memory_space<vmem>>, vector<1x2048x1xf32>
    %get3A_8 = vector.shape_cast %get3A_7 : vector<1x2048x1xf32> to vector<2048x1xf32>
    %add3A = arith.addf %get3A_3, %get3A_8 : vector<2048x1xf32>
    %gt3A = arith.constant 0.000000e+00 : f32
    %gt3A_9 = vector.broadcast %gt3A : f32 to vector<2048x1xf32>
    %gt3A_10 = arith.cmpf ogt, %add3A, %gt3A_9 : vector<2048x1xf32>
    %max3A = arith.constant 1.000000e+00 : f32
    %max3A_11 = vector.broadcast %max3A : f32 to vector<2048x1xf32>
    %max3A_12 = arith.maximumf %add3A, %max3A_11 : vector<2048x1xf32>
    %rsqrt3A = math.rsqrt %max3A_12 : vector<2048x1xf32>
    %jit3A = arith.constant 0.000000e+00 : f32
    %broadcast_in_dim3A = vector.broadcast %jit3A : f32 to vector<2048x1xf32>
    %select_n3A = arith.select %gt3A_10, %rsqrt3A, %broadcast_in_dim3A : vector<2048x1xi1>, vector<2048x1xf32>
    %get3A_13 = arith.constant 0 : index
    %get3A_14 = arith.constant 0 : index
    %get3A_15 = arith.constant 0 : index
    %get3A_16 = vector.load %arg4[%get3A_13, %get3A_14, %get3A_15] : memref<2x2048x1xf32, #tpu.memory_space<vmem>>, vector<1x2048x1xf32>
    %get3A_17 = vector.shape_cast %get3A_16 : vector<1x2048x1xf32> to vector<2048x1xf32>
    %get3A_18 = arith.constant 1 : index
    %get3A_19 = arith.constant 0 : index
    %get3A_20 = arith.constant 0 : index
    %get3A_21 = vector.load %arg4[%get3A_18, %get3A_19, %get3A_20] : memref<2x2048x1xf32, #tpu.memory_space<vmem>>, vector<1x2048x1xf32>
    %get3A_22 = vector.shape_cast %get3A_21 : vector<1x2048x1xf32> to vector<2048x1xf32>
    %add3A_23 = arith.addf %get3A_17, %get3A_22 : vector<2048x1xf32>
    %gt3A_24 = arith.constant 0.000000e+00 : f32
    %gt3A_25 = vector.broadcast %gt3A_24 : f32 to vector<2048x1xf32>
    %gt3A_26 = arith.cmpf ogt, %add3A_23, %gt3A_25 : vector<2048x1xf32>
    %max3A_27 = arith.constant 1.000000e+00 : f32
    %max3A_28 = vector.broadcast %max3A_27 : f32 to vector<2048x1xf32>
    %max3A_29 = arith.maximumf %add3A_23, %max3A_28 : vector<2048x1xf32>
    %rsqrt3A_30 = math.rsqrt %max3A_29 : vector<2048x1xf32>
    %jit3A_31 = arith.constant 0.000000e+00 : f32
    %broadcast_in_dim3A_32 = vector.broadcast %jit3A_31 : f32 to vector<2048x1xf32>
    %select_n3A_33 = arith.select %gt3A_26, %rsqrt3A_30, %broadcast_in_dim3A_32 : vector<2048x1xi1>, vector<2048x1xf32>
    %get3A_34 = arith.constant 0 : index
    %get3A_35 = arith.constant 0 : index
    %get3A_36 = vector.load %arg1[%get3A_34, %get3A_35] : memref<2048x128xf32, #tpu.memory_space<vmem>>, vector<2048x128xf32>
    %get3A_37 = arith.constant 0 : index
    %get3A_38 = arith.constant 0 : index
    %get3A_39 = vector.load %arg2[%get3A_37, %get3A_38] : memref<128x64xf32, #tpu.memory_space<vmem>>, vector<128x64xf32>
    %dot_general3A = arith.constant dense<0.000000e+00> : vector<2048x64xf32>
    %dot_general3A_40 = tpu.matmul %get3A_36, %get3A_39, %dot_general3A {dimension_numbers = #tpu.dot_dimension_numbers<[1], [0], [0], [1], [0, 0, 1, 1], [], []>, transpose_lhs_hint = false} : vector<2048x128xf32>, vector<128x64xf32>, vector<2048x64xf32> -> vector<2048x64xf32>
    %mul3A = vector.broadcast %select_n3A : vector<2048x1xf32> to vector<2048x64xf32>
    %mul3A_41 = arith.mulf %dot_general3A_40, %mul3A : vector<2048x64xf32>
    %swap3A = arith.constant 0 : index
    %swap3A_42 = arith.constant 0 : index
    %swap3A_43 = vector.load %arg5[%swap3A, %swap3A_42] : memref<2048x64xf32, #tpu.memory_space<vmem>>, vector<2048x64xf32>
    tpu.vector_store %arg5[%swap3A, %swap3A_42], %mul3A_41 {strides = array<i32>} : memref<2048x64xf32, #tpu.memory_space<vmem>>, vector<2048x64xf32>,
    %swap3A_44 = arith.constant 0 : index
    %swap3A_45 = arith.constant 0 : index
    %swap3A_46 = vector.load %arg6[%swap3A_44, %swap3A_45] : memref<2048x1xf32, #tpu.memory_space<vmem>>, vector<2048x1xf32>
    tpu.vector_store %arg6[%swap3A_44, %swap3A_45], %select_n3A {strides = array<i32>} : memref<2048x1xf32, #tpu.memory_space<vmem>>, vector<2048x1xf32>,
    %swap3A_47 = arith.constant 0 : index
    %swap3A_48 = arith.constant 0 : index
    %swap3A_49 = vector.load %arg7[%swap3A_47, %swap3A_48] : memref<2048x1xf32, #tpu.memory_space<vmem>>, vector<2048x1xf32>
    tpu.vector_store %arg7[%swap3A_47, %swap3A_48], %select_n3A_33 {strides = array<i32>} : memref<2048x1xf32, #tpu.memory_space<vmem>>, vector<2048x1xf32>,
    return
  }
  func.func @transform_0(%arg0: i32) -> (i32, i32) {
    %c0_i32 = arith.constant 0 : i32
    %c0_i32_0 = arith.constant 0 : i32
    return %arg0, %c0_i32 : i32, i32
  }
  func.func @transform_1(%arg0: i32) -> (i32, i32) {
    %c0_i32 = arith.constant 0 : i32
    %c0_i32_0 = arith.constant 0 : i32
    %c0_i32_1 = arith.constant 0 : i32
    return %c0_i32, %c0_i32_0 : i32, i32
  }
  func.func @transform_2(%arg0: i32) -> (i32, i32, i32) {
    %c0_i32 = arith.constant 0 : i32
    %c0_i32_0 = arith.constant 0 : i32
    %c0_i32_1 = arith.constant 0 : i32
    return %c0_i32, %arg0, %c0_i32_0 : i32, i32, i32
  }
  func.func @transform_3(%arg0: i32) -> (i32, i32, i32) {
    %c0_i32 = arith.constant 0 : i32
    %c0_i32_0 = arith.constant 0 : i32
    %c0_i32_1 = arith.constant 0 : i32
    return %c0_i32, %arg0, %c0_i32_0 : i32, i32, i32
  }
  func.func @transform_4(%arg0: i32) -> (i32, i32) {
    %c0_i32 = arith.constant 0 : i32
    %c0_i32_0 = arith.constant 0 : i32
    return %arg0, %c0_i32 : i32, i32
  }
  func.func @transform_5(%arg0: i32) -> (i32, i32) {
    %c0_i32 = arith.constant 0 : i32
    %c0_i32_0 = arith.constant 0 : i32
    return %arg0, %c0_i32 : i32, i32
  }
  func.func @transform_6(%arg0: i32) -> (i32, i32) {
    %c0_i32 = arith.constant 0 : i32
    %c0_i32_0 = arith.constant 0 : i32
    return %arg0, %c0_i32 : i32, i32
  }
}

module attributes {stable_mosaic.version = 14 : i64} {
  func.func @_mm2_body(%arg0: i32, %arg1: memref<2x2048x64xf32, #tpu.memory_space<vmem>>, %arg2: memref<2048x1xf32, #tpu.memory_space<vmem>>, %arg3: memref<2048x1xf32, #tpu.memory_space<vmem>>, %arg4: memref<8x64xf32, #tpu.memory_space<vmem>>, %arg5: memref<64x64xf32, #tpu.memory_space<vmem>>, %arg6: memref<2048x64xf32, #tpu.memory_space<vmem>>) attributes {dimension_semantics = [#tpu.dimension_semantics<arbitrary>], iteration_bounds = array<i64: 5>, scalar_prefetch = 0 : i64, scratch_operands = 0 : i64, tpu.core_type = #tpu.core_type<tc>, window_params = [{transform_indices = @transform_0, window_bounds = array<i64: 2, 2048, 64>}, {transform_indices = @transform_1, window_bounds = array<i64: 2048, 1>}, {transform_indices = @transform_2, window_bounds = array<i64: 2048, 1>}, {pipeline_mode = #tpu.pipeline_mode<synchronous>, transform_indices = @transform_3, window_bounds = array<i64: 8, 64>}, {pipeline_mode = #tpu.pipeline_mode<synchronous>, transform_indices = @transform_4, window_bounds = array<i64: 64, 64>}, {transform_indices = @transform_5, window_bounds = array<i64: 2048, 64>}]} {
    %get3A = arith.constant 0 : index
    %get3A_0 = arith.constant 0 : index
    %get3A_1 = arith.constant 0 : index
    %get3A_2 = vector.load %arg1[%get3A, %get3A_0, %get3A_1] : memref<2x2048x64xf32, #tpu.memory_space<vmem>>, vector<1x2048x64xf32>
    %get3A_3 = vector.shape_cast %get3A_2 : vector<1x2048x64xf32> to vector<2048x64xf32>
    %get3A_4 = arith.constant 1 : index
    %get3A_5 = arith.constant 0 : index
    %get3A_6 = arith.constant 0 : index
    %get3A_7 = vector.load %arg1[%get3A_4, %get3A_5, %get3A_6] : memref<2x2048x64xf32, #tpu.memory_space<vmem>>, vector<1x2048x64xf32>
    %get3A_8 = vector.shape_cast %get3A_7 : vector<1x2048x64xf32> to vector<2048x64xf32>
    %add3A = arith.addf %get3A_3, %get3A_8 : vector<2048x64xf32>
    %get3A_9 = arith.constant 0 : index
    %get3A_10 = arith.constant 0 : index
    %get3A_11 = vector.load %arg4[%get3A_9, %get3A_10] : memref<8x64xf32, #tpu.memory_space<vmem>>, vector<1x64xf32>
    %get3A_12 = arith.constant 0 : index
    %get3A_13 = arith.constant 0 : index
    %get3A_14 = vector.load %arg3[%get3A_12, %get3A_13] : memref<2048x1xf32, #tpu.memory_space<vmem>>, vector<2048x1xf32>
    %mul3A = vector.broadcast %get3A_14 : vector<2048x1xf32> to vector<2048x64xf32>
    %mul3A_15 = arith.mulf %add3A, %mul3A : vector<2048x64xf32>
    %add3A_16 = vector.broadcast %get3A_11 : vector<1x64xf32> to vector<2048x64xf32>
    %add3A_17 = arith.addf %mul3A_15, %add3A_16 : vector<2048x64xf32>
    %max3A = arith.constant 0.000000e+00 : f32
    %max3A_18 = vector.broadcast %max3A : f32 to vector<2048x64xf32>
    %max3A_19 = arith.maximumf %add3A_17, %max3A_18 : vector<2048x64xf32>
    %get3A_20 = arith.constant 0 : index
    %get3A_21 = arith.constant 0 : index
    %get3A_22 = vector.load %arg5[%get3A_20, %get3A_21] : memref<64x64xf32, #tpu.memory_space<vmem>>, vector<64x64xf32>
    %dot_general3A = arith.constant dense<0.000000e+00> : vector<2048x64xf32>
    %dot_general3A_23 = tpu.matmul %max3A_19, %get3A_22, %dot_general3A {dimension_numbers = #tpu.dot_dimension_numbers<[1], [0], [0], [1], [0, 0, 1, 1], [], []>, transpose_lhs_hint = false} : vector<2048x64xf32>, vector<64x64xf32>, vector<2048x64xf32> -> vector<2048x64xf32>
    %get3A_24 = arith.constant 0 : index
    %get3A_25 = arith.constant 0 : index
    %get3A_26 = vector.load %arg2[%get3A_24, %get3A_25] : memref<2048x1xf32, #tpu.memory_space<vmem>>, vector<2048x1xf32>
    %mul3A_27 = vector.broadcast %get3A_26 : vector<2048x1xf32> to vector<2048x64xf32>
    %mul3A_28 = arith.mulf %dot_general3A_23, %mul3A_27 : vector<2048x64xf32>
    %swap3A = arith.constant 0 : index
    %swap3A_29 = arith.constant 0 : index
    %swap3A_30 = vector.load %arg6[%swap3A, %swap3A_29] : memref<2048x64xf32, #tpu.memory_space<vmem>>, vector<2048x64xf32>
    tpu.vector_store %arg6[%swap3A, %swap3A_29], %mul3A_28 {strides = array<i32>} : memref<2048x64xf32, #tpu.memory_space<vmem>>, vector<2048x64xf32>,
    return
  }
  func.func @transform_0(%arg0: i32) -> (i32, i32, i32) {
    %c0_i32 = arith.constant 0 : i32
    %c0_i32_0 = arith.constant 0 : i32
    %c0_i32_1 = arith.constant 0 : i32
    return %c0_i32, %arg0, %c0_i32_0 : i32, i32, i32
  }
  func.func @transform_1(%arg0: i32) -> (i32, i32) {
    %c0_i32 = arith.constant 0 : i32
    %c0_i32_0 = arith.constant 0 : i32
    return %arg0, %c0_i32 : i32, i32
  }
  func.func @transform_2(%arg0: i32) -> (i32, i32) {
    %c0_i32 = arith.constant 0 : i32
    %c0_i32_0 = arith.constant 0 : i32
    return %arg0, %c0_i32 : i32, i32
  }
  func.func @transform_3(%arg0: i32) -> (i32, i32) {
    %c0_i32 = arith.constant 0 : i32
    %c0_i32_0 = arith.constant 0 : i32
    %c0_i32_1 = arith.constant 0 : i32
    return %c0_i32, %c0_i32_0 : i32, i32
  }
  func.func @transform_4(%arg0: i32) -> (i32, i32) {
    %c0_i32 = arith.constant 0 : i32
    %c0_i32_0 = arith.constant 0 : i32
    %c0_i32_1 = arith.constant 0 : i32
    return %c0_i32, %c0_i32_0 : i32, i32
  }
  func.func @transform_5(%arg0: i32) -> (i32, i32) {
    %c0_i32 = arith.constant 0 : i32
    %c0_i32_0 = arith.constant 0 : i32
    return %arg0, %c0_i32 : i32, i32
  }
}

module attributes {stable_mosaic.version = 14 : i64} {
  func.func @_final_body(%arg0: i32, %arg1: memref<2x2048x64xf32, #tpu.memory_space<vmem>>, %arg2: memref<2048x1xf32, #tpu.memory_space<vmem>>, %arg3: memref<8x64xf32, #tpu.memory_space<vmem>>, %arg4: memref<2048x64xf32, #tpu.memory_space<vmem>>) attributes {dimension_semantics = [#tpu.dimension_semantics<arbitrary>], iteration_bounds = array<i64: 5>, scalar_prefetch = 0 : i64, scratch_operands = 0 : i64, tpu.core_type = #tpu.core_type<tc>, window_params = [{transform_indices = @transform_0, window_bounds = array<i64: 2, 2048, 64>}, {transform_indices = @transform_1, window_bounds = array<i64: 2048, 1>}, {pipeline_mode = #tpu.pipeline_mode<synchronous>, transform_indices = @transform_2, window_bounds = array<i64: 8, 64>}, {transform_indices = @transform_3, window_bounds = array<i64: 2048, 64>}]} {
    %get3A = arith.constant 0 : index
    %get3A_0 = arith.constant 0 : index
    %get3A_1 = arith.constant 0 : index
    %get3A_2 = vector.load %arg1[%get3A, %get3A_0, %get3A_1] : memref<2x2048x64xf32, #tpu.memory_space<vmem>>, vector<1x2048x64xf32>
    %get3A_3 = vector.shape_cast %get3A_2 : vector<1x2048x64xf32> to vector<2048x64xf32>
    %get3A_4 = arith.constant 1 : index
    %get3A_5 = arith.constant 0 : index
    %get3A_6 = arith.constant 0 : index
    %get3A_7 = vector.load %arg1[%get3A_4, %get3A_5, %get3A_6] : memref<2x2048x64xf32, #tpu.memory_space<vmem>>, vector<1x2048x64xf32>
    %get3A_8 = vector.shape_cast %get3A_7 : vector<1x2048x64xf32> to vector<2048x64xf32>
    %add3A = arith.addf %get3A_3, %get3A_8 : vector<2048x64xf32>
    %get3A_9 = arith.constant 0 : index
    %get3A_10 = arith.constant 0 : index
    %get3A_11 = vector.load %arg3[%get3A_9, %get3A_10] : memref<8x64xf32, #tpu.memory_space<vmem>>, vector<1x64xf32>
    %get3A_12 = arith.constant 0 : index
    %get3A_13 = arith.constant 0 : index
    %get3A_14 = vector.load %arg2[%get3A_12, %get3A_13] : memref<2048x1xf32, #tpu.memory_space<vmem>>, vector<2048x1xf32>
    %mul3A = vector.broadcast %get3A_14 : vector<2048x1xf32> to vector<2048x64xf32>
    %mul3A_15 = arith.mulf %add3A, %mul3A : vector<2048x64xf32>
    %add3A_16 = vector.broadcast %get3A_11 : vector<1x64xf32> to vector<2048x64xf32>
    %add3A_17 = arith.addf %mul3A_15, %add3A_16 : vector<2048x64xf32>
    %swap3A = arith.constant 0 : index
    %swap3A_18 = arith.constant 0 : index
    %swap3A_19 = vector.load %arg4[%swap3A, %swap3A_18] : memref<2048x64xf32, #tpu.memory_space<vmem>>, vector<2048x64xf32>
    tpu.vector_store %arg4[%swap3A, %swap3A_18], %add3A_17 {strides = array<i32>} : memref<2048x64xf32, #tpu.memory_space<vmem>>, vector<2048x64xf32>,
    return
  }
  func.func @transform_0(%arg0: i32) -> (i32, i32, i32) {
    %c0_i32 = arith.constant 0 : i32
    %c0_i32_0 = arith.constant 0 : i32
    %c0_i32_1 = arith.constant 0 : i32
    return %c0_i32, %arg0, %c0_i32_0 : i32, i32, i32
  }
  func.func @transform_1(%arg0: i32) -> (i32, i32) {
    %c0_i32 = arith.constant 0 : i32
    %c0_i32_0 = arith.constant 0 : i32
    return %arg0, %c0_i32 : i32, i32
  }
  func.func @transform_2(%arg0: i32) -> (i32, i32) {
    %c0_i32 = arith.constant 0 : i32
    %c0_i32_0 = arith.constant 0 : i32
    %c0_i32_1 = arith.constant 0 : i32
    return %c0_i32, %c0_i32_0 : i32, i32
  }
  func.func @transform_3(%arg0: i32) -> (i32, i32) {
    %c0_i32 = arith.constant 0 : i32
    %c0_i32_0 = arith.constant 0 : i32
    return %arg0, %c0_i32 : i32, i32
  }
}

</mosaic_0001>

<sc_bundles>
// kernel: _run.11.cloned.1.call-start
scs
__scs_entry_jumppad:
0x0: {  	(pc) =	sbr.rel $0x88, $3  }
0x1: {  	(tag) =	ssettag $0x0;
	lr =	simm.s32 $0x1  }
0x2: {  	[smem:$0x3F9B] =	sst lr;
	_ =	strace $0xD0000000  }
0x3: {  	_ = 	snop  }
0x4: {  	_ = 	snop  }
0x5: {  	_ = 	snop  }
0x6: {  	_ = 	snop  }
0x7: {  	_ = 	snop  }
__scs_overlays_trampoline_lowered:
0x8: {  	[smem:$0x3FAA] =	sst s0  }
0x9: {  	[smem:$0x3FAB] =	sst s1  }
0xa: {  	[smem:$0x3FAC] =	sst s2  }
0xb: {  	[smem:$0x3FAD] =	sst s3  }
0xc: {  	[smem:$0x3FAE] =	sst s4  }
0xd: {  	[smem:$0x3FAF] =	sst s5  }
0xe: {  	[smem:$0x3FB0] =	sst s6  }
0xf: {  	[smem:$0x3FB1] =	sst s7  }
0x10: {  	[smem:$0x3FB2] =	sst s8  }
0x11: {  	[smem:$0x3FB3] =	sst s9;
	s0 =	simm.s32 @!p0 $0x0  }
0x12: {  	s1 =	sld [smem:$0x3F99];
	s0 =	simm.s32 @p0 $0x1  }
0x13: {  	[smem:$0x3FB4] =	sst s0;
	s0 =	simm.s32 @!p1 $0x0  }
0x14: {  	s2 =	sld [smem:$0x3F98];
	s0 =	simm.s32 @p1 $0x1  }
0x15: {  	[smem:$0x3FB5] =	sst s0;
	s0 =	simm.s32 @!p2 $0x0  }
0x16: {  	s3 =	sld [smem:$0x3FDB];
	s0 =	simm.s32 @p2 $0x1  }
0x17: {  	s4 =	simm.s32 $0x1BF5;
	[smem:$0x3FB7] =	sst s0  }
0x18: {  	s0 =	sld [smem:$0x3F9A];
	_ =	swait.ge [sflag:s4], $0x0  }
0x19: {  	s7 =	sld [smem:$0x3F9B]  }
0x1a: {  	s8 =	sadd.s32 $0xFFFFE003, lr  }
0x1b: {  	s9 =	sadd.s32 $0xFFFFFEF7, lr;
	s5 =	simm.s32 $0xFFFFFFFF;
	p2 =	slt.u32 s8, $0xFFFFF086  }
0x1c: {  	p1 =	slt.u32 s9, $0xF7A;
	s5 =	simm.s32 @!p2 $0x0  }
0x1d: {  	s5 =	simm.s32 @p1 $0x1;
	p0 =	seq.s32 s7, s2  }
0x1e: {  	s7 =	smul.u32 @!p0 $0xF7A, s2;
	p2 =	seq.s32 @!p0 s5, $0x0  }
0x1f: {  	s9 =	smul.u32 $0xF7A, s1;
	s8 =	simm.s32 @!p0 $0x1BF5;
	p2 =	por !p2, p0  }
0x20: {  	[sflag:s8] =	ssyncset.s32 @!p0 $0xFFFFF086;
	s6 =	sadd.s32 @!p0 s3, s7;
	s7 =	simm.s32 @!p0 $0x108  }
0x21: {  	s3 =	sadd.s32 s3, s9;
	s6 =	sadd.s32 @!p0 $0x88, s6;
	s7 =	simm.s32 @p2 $0x1082  }
0x22: {  	[simem:s7], [sflag:s8] =	dma.local @!p0 [hbm:s6], $0xF7A  }
0x23: {  	s9 =	sor.u32 $0xD0000000, s2;
	s6 =	simm.s32 $0x108;
	_ =	swait.ge @!p0 [sflag:s8], $0x0  }
0x24: {  	s3 =	sadd.s32 $0x88, s3;
	s6 =	simm.s32 @!p1 $0x1082;
	[sflag:s4] =	ssyncset.s32 $0xFFFFF086  }
0x25: {  	[simem:s6], [sflag:s4] =	dma.local [hbm:s3], $0xF7A  }
0x26: {  	[smem:$0x3F9B] =	sst s1;
	(tag) =	ssettag s2;
	_ =	strace s9  }
0x27: {  	s1 =	sld [smem:$0x3FAB]  }
0x28: {  	s2 =	sld [smem:$0x3FAC]  }
0x29: {  	s4 =	sld [smem:$0x3FAE]  }
0x2a: {  	p0 =	seq.s32 s5, $0x0;
	s5 =	sld [smem:$0x3FAF]  }
0x2b: {  	s6 =	sld [smem:$0x3FB0]  }
0x2c: {  	s7 =	sld [smem:$0x3FB1]  }
0x2d: {  	s3 =	simm.s32 $0x108;
	s8 =	sld [smem:$0x3FB2]  }
0x2e: {  	s3 =	simm.s32 @!p0 $0x1082;
	s9 =	sld [smem:$0x3FB3]  }
0x2f: {  	lr =	sadd.s32 s0, s3;
	s0 =	sld [smem:$0x3FAA]  }
0x30: {  	s3 =	sld [smem:$0x3FAD]  }
0x31: {  	[smem:$0x3FB6] =	sst s10  }
0x32: {  	s10 =	sld [smem:$0x3FB4];
	_ =	sdelay $0x3  }
0x33: {  	p0 =	seq.s32 s10, $0x1;
	s10 =	sld [smem:$0x3FB6];
	_ =	sdelay $0x3  }
0x34: {  	[smem:$0x3FB6] =	sst s10  }
0x35: {  	s10 =	sld [smem:$0x3FB5];
	_ =	sdelay $0x3  }
0x36: {  	p1 =	seq.s32 s10, $0x1;
	s10 =	sld [smem:$0x3FB6];
	_ =	sdelay $0x3  }
0x37: {  	[smem:$0x3FB6] =	sst s10  }
0x38: {  	s10 =	sld [smem:$0x3FB7]  }
0x39: {  	_ = 	snop;
	(pc) =	sbr.ind lr, $3  }
0x3a: {  	_ = 	snop  }
0x3b: {  	_ = 	snop  }
0x3c: {  	p2 =	seq.s32 s10, $0x1;
	s10 =	sld [smem:$0x3FB6]  }
0x3d: {  	_ =	shalt  }
0x3e: {  	_ =	shalt  }
0x3f: {  	_ =	shalt  }
0x40: {  	_ =	shalt  }
0x41: {  	_ =	shalt  }
0x42: {  	_ =	shalt  }
0x43: {  	_ =	shalt  }
0x44: {  	_ =	shalt  }
0x45: {  	_ =	shalt  }
0x46: {  	_ =	shalt  }
0x47: {  	_ =	shalt  }
0x48: {  	_ =	shalt  }
0x49: {  	_ =	shalt  }
0x4a: {  	_ =	shalt  }
0x4b: {  	_ =	shalt  }
0x4c: {  	_ =	shalt  }
0x4d: {  	_ =	shalt  }
0x4e: {  	_ =	shalt  }
0x4f: {  	_ =	shalt  }
0x50: {  	_ =	shalt  }
0x51: {  	_ =	shalt  }
0x52: {  	_ =	shalt  }
0x53: {  	_ =	shalt  }
0x54: {  	_ =	shalt  }
0x55: {  	_ =	shalt  }
0x56: {  	_ =	shalt  }
0x57: {  	_ =	shalt  }
0x58: {  	_ =	shalt  }
0x59: {  	_ =	shalt  }
0x5a: {  	_ =	shalt  }
0x5b: {  	_ =	shalt  }
0x5c: {  	_ =	shalt  }
0x5d: {  	_ =	shalt  }
0x5e: {  	_ =	shalt  }
0x5f: {  	_ =	shalt  }
0x60: {  	_ =	shalt  }
0x61: {  	_ =	shalt  }
0x62: {  	_ =	shalt  }
0x63: {  	_ =	shalt  }
0x64: {  	_ =	shalt  }
0x65: {  	_ =	shalt  }
0x66: {  	_ =	shalt  }
0x67: {  	_ =	shalt  }
0x68: {  	_ =	shalt  }
0x69: {  	_ =	shalt  }
0x6a: {  	_ =	shalt  }
0x6b: {  	_ =	shalt  }
0x6c: {  	_ =	shalt  }
0x6d: {  	_ =	shalt  }
0x6e: {  	_ =	shalt  }
0x6f: {  	_ =	shalt  }
0x70: {  	_ =	shalt  }
0x71: {  	_ =	shalt  }
0x72: {  	_ =	shalt  }
0x73: {  	_ =	shalt  }
0x74: {  	_ =	shalt  }
0x75: {  	_ =	shalt  }
0x76: {  	_ =	shalt  }
0x77: {  	_ =	shalt  }
0x78: {  	_ =	shalt  }
0x79: {  	_ =	shalt  }
0x7a: {  	_ =	shalt  }
0x7b: {  	_ =	shalt  }
0x7c: {  	_ =	shalt  }
0x7d: {  	_ =	shalt  }
0x7e: {  	_ =	shalt  }
0x7f: {  	_ =	shalt  }
0x80: {  	_ =	shalt  }
0x81: {  	_ =	shalt  }
0x82: {  	_ =	shalt  }
0x83: {  	_ =	shalt  }
0x84: {  	_ =	shalt  }
0x85: {  	_ =	shalt  }
0x86: {  	_ =	shalt  }
0x87: {  	_ =	shalt  }
.Lfunc_end0:
.L_simem_size_0:
called_computation.1_lowered:
.L_overlay_start_0:
0x88: {  	s2 =	sld [smem:$0x3FD9]  }
0x89: {  	s3 =	sld [smem:$0x3FFE];
	_ =	sdelay $0x1  }
0x8a: {  	s1 =	srdreg.scid  }
0x8b: {  	s0 =	sand.u32 $0x1, s1  }
0x8c: {  	s17 =	sshll.u32 s0, $0xA;
	s2 =	sadd.s32 s3, s2  }
0x8d: {  	s2 =	sadd.s32 s2, s17  }
0x8e: {  	[smem:$0x3FC2] =	sst s2  }
0x8f: {  	_ = 	snop  }
0x90: {  	s2 =	sld [smem:$0x3FD0];
	(tm) =	ssettm $0x1  }
0x91: {  	s18 =	sld [smem:$0x3FFB];
	_ =	sdelay $0x3  }
0x92: {  	_ =	strace s18  }
0x93: {  	s3 =	sld [smem:$0x3FFC];
	_ =	sdelay $0x3  }
0x94: {  	_ =	strace s3  }
0x95: {  	s3 =	sld [smem:$0x3FFD];
	_ =	sdelay $0x3  }
0x96: {  	_ =	strace s3  }
0x97: {  	_ =	strace $0x8FFFFFFF  }
0x98: {  	s19 =	sld [smem:$0x3FDB];
	_ =	sdelay $0x1  }
0x99: {  	s4 =	simm.s32 $_scs_section_size  }
0x9a: {  	s5 =	simm.s32 $_size__tile_overlayer_lowered;
	s6 =	simm.s32 $_tile_overlayer_lowered  }
0x9b: {  	s22 =	simm.s32 $0x1BFF;
	s21 =	sshll.u32 s6, $0x1;
	s3 =	sadd.s32 s4, s19  }
0x9c: {  	s7 =	simm.s32 $0x0;
	s20 =	sshll.u32 s5, $0x1;
	s5 =	sadd.s32 s21, s3  }
0x9d: {  	[timem:s7], [sflag:s22] =	dma.local [hbm:s5], s20  }
0x9e: {  	_ =	swait.ge [sflag:s22], s20  }
0x9f: {  	s4 =	ssub.s32 $0x0, s20;
	[sflag:s22] =	ssyncset.done $0x0  }
0xa0: {  	[sflag:s22] =	ssyncadd.s32 s4;
	_ =	sdelay $0x1  }
0xa1: {  	s23 =	simm.s32 $0x1B8B  }
0xa2: {  	_ =	swait.ge [sflag:s23], $0x1  }
0xa3: {  	[sflag:s23] =	ssyncset.done $0x0  }
0xa4: {  	s25 =	simm.s32 $0x1B8E;
	s24 =	sld [smem:$0x3FFE];
	[sflag:s23] =	ssyncadd.s32 $0xFFFFFFFF  }
0xa5: {  	s26 =	simm.s32 $execute0_lowered;
	[smem:$0x3FD2] =	sst s25  }
0xa6: {  	s5 =	sshll.u32 s26, $0x1;
	_ =	strace $0x80000049;
	[dreg:$0x1] =	wrdreg $0xFFFFFFFF  }
0xa7: {  	s28 =	simm.s32 $_size_execute0_lowered;
	s3 =	sadd.s32 s3, s5;
	[dreg:$0x0] =	wrdreg $0x0  }
0xa8: {  	s5 =	sshll.u32 s28, $0x1;
	[dreg:$0x2] =	wrdreg s3  }
0xa9: {  	[dreg:$0x3] =	wrdreg s5  }
0xaa: {  	[dreg:$0x4] =	wrdreg $0xC0  }
0xab: {  	_ =	task [dreg:s7], $0x5FFFF  }
0xac: {  	[dreg:$0x1] =	wrdreg $0xFFFFFFFF  }
0xad: {  	[dreg:$0x0] =	wrdreg $0x60  }
0xae: {  	[dreg:$0x2] =	wrdreg s24  }
0xaf: {  	[dreg:$0x3] =	wrdreg s2  }
0xb0: {  	[dreg:$0x4] =	wrdreg $0xAF000  }
0xb1: {  	[dreg:$0x5] =	wrdreg $0x14F000  }
0xb2: {  	[dreg:$0x6] =	wrdreg $0x9  }
0xb3: {  	_ =	task.clear_ibuf [dreg:s7], $0x7FFFF;
	_ =	strace $0x90000049  }
0xb4: {  	s29 =	simm.s32 $0x9;
	_ =	strace $0x8000004B  }
0xb5: {  	_ =	swait.ge [sflag:s29], $0x1  }
0xb6: {  	[sflag:s29] =	ssyncadd.s32 $0xFFFFFFFF  }
0xb7: {  	_ =	strace $0x9000004B  }
0xb8: {  	_ =	sfence  }
0xb9: {  	s30 =	sld [smem:$0x0];
	_ =	sdelay $0x2  }
0xba: {  	s31 =	sshll.u32 s1, $0xD;
	s1 =	sshrl.u32 s1, $0x2  }
0xbb: {  	s3 =	sand.u32 $0x4000, s31;
	s1 =	sadd.s32 s1, s30  }
0xbc: {  	s0 =	sor.u32 s3, s0;
	s1 =	sshll.u32 s1, $0x11  }
0xbd: {  	s0 =	sor.u32 s1, s0  }
0xbe: {  	s0 =	sadd.s32 $0x8F2B, s0  }
0xbf: {  	[sflag:s0] =	ssyncadd.remote.s32 $0x1  }
0xc0: {  	_ =	sfence.sel $0xFFFF  }
0xc1: {  	[dreg:$0x0] =	wrdreg $0xFFFFFFFF;
	(pc) =	sbr.abs _section_cstart, $3  }
0xc2: {  	[dreg:$0x1] =	wrdreg $0xFFFFFFFF  }
0xc3: {  	_ =	task.clear_ibuf [dreg:s7], $0x2FFFF;
	_ =	strace $0x9FFFFFFF  }
0xc4: {  	(tm) =	ssettm $0x7FFFFFFF  }
0xc5: {  	_ =	shalt  }
tec
execute0_lowered:
.L_overlay_start_1:
0x0: {  	(tag) =	ssettag $0x1  }
0x1: {  	s5 =	rddreg [dreg:$0x0]  }
0x2: {  	s8 =	rddreg [dreg:$0x1]  }
0x3: {  	s2 =	rddreg [dreg:$0x2]  }
0x4: {  	s3 =	rddreg [dreg:$0x3]  }
0x5: {  	s4 =	srdreg.scid;
	s0 =	rddreg [dreg:$0x4]  }
0x6: {  	s1 =	stileid.u32;
	s16 =	simm.s32 $0x80;
	s17 =	simm.s32 $0x4E80  }
0x7: {  	s18 =	simm.s32 $0x4;
	s19 =	simm.s32 $0x3;
	s20 =	simm.s32 $0x0  }
0x8: {  	s6 =	sand.u32 $0x1, s4;
	s4 =	simm.s32 $0x0;
	s7 =	smul.u32 $0xA000, s1  }
0x9: {  	s31 =	sshll.u32 s1, $0x6;
	s9 =	sshll.u32 s6, $0x4;
	[smem:$0x7FF] =	sst s4  }
0xa: {  	s10 =	smul.u32 $0xA0000, s6;
	s6 =	ssub.s32 $0x2, s6;
	s9 =	sor.u32 s1, s9  }
0xb: {  	_ =	strace $0x8000004A;
	s11 =	sshrl.u32 s7, $0x3;
	s13 =	sshrl.u32 s6, $0x1  }
0xc: {  	s14 =	sadd.s32 s7, s2;
	s15 =	sadd.s32 s7, s3;
	s9 =	smul.u32 $0x4F0, s9  }
0xd: {  	s11 =	sadd.s32 s11, s5;
	s10 =	sadd.s32 s7, s10;
	s13 =	ssub.s32 s6, s13  }
.Ltmp0:
0xe: {  	s6 =	sor.u32 $0x1C05, s31;
	s10 =	sshrl.u32 s10, $0x3;
	(pc) =	sbr.rel .LBB2_1-.Ltmp0, $4  }
0xf: {  	s7 =	sadd.s32 $0xB600, s11;
	s12 =	sadd.s32 s9, s5;
	s10 =	sadd.s32 s10, s5  }
0x10: {  	s5 =	sadd.s32 $0x1F600, s11;
	s8 =	sadd.s32 s8, s9;
	s11 =	smax.u32 s13, $0x1  }
0x11: {  	s13 =	simm.s32 $0x5;
	s9 =	sadd.s32 $0x1800, s12;
	s10 =	sadd.s32 $0x33600, s10  }
0x12: {  	s12 =	sshrl.u32 s14, $0x3;
	s14 =	sshrl.u32 s15, $0x3;
	s15 =	simm.s32 $0x4F00  }
.LBB2_3:
0x13: {  	s21 =	sshll.u32 s25, $0xD  }
0x14: {  	s21 =	sadd.s32 $0x4F00, s21  }
0x15: {  	[spmem:s2] =	stream.indirect.scatter.add.f32 [tilespmem:s21], [sflag:s26], $0x40, s17, s16, $0xb8;
	[tilespmem:$0x1EF00] =	vst v63  }
.LBB2_5:
0x16: {  	_ =	swait.ge [sflag:s18], $0x2000  }
0x17: {  	[sflag:s18] =	ssyncset.done $0x0  }
0x18: {  	[sflag:s18] =	ssyncadd.s32 $0xFFFFE000  }
0x19: {  	_ =	swait.ge [sflag:s19], $0x2000  }
0x1a: {  	s20 =	sadd.s32 $0x1, s20;
	[sflag:s19] =	ssyncset.done $0x0  }
0x1b: {  	p0 =	sne.s32 s20, s11;
	[sflag:s19] =	ssyncadd.s32 $0xFFFFE000  }
.Ltmp1:
0x1c: {  	[bflag:$0x0] =	sbarrier.arrive $0xFFFF;
	(pc) =	sbr.rel @!p0 .LBB2_6-.Ltmp1, $4  }
0x1d: {  	[hbm:s10], [sflag:s6] =	dma.local [spmem:s12], $0x1400  }
0x1e: {  	_ =	swait.ge [sflag:s13], $0x1400  }
0x1f: {  	[sflag:s13] =	ssyncset.done $0x0  }
0x20: {  	[sflag:s13] =	ssyncadd.s32 $0xFFFFEC00  }
.LBB2_1:
0x21: {  	[spmem:s12], [sflag:s6] =	dma.local [hbm:s5], $0x1400  }
0x22: {  	_ =	swait.ge [sflag:s13], $0x1400  }
0x23: {  	[sflag:s13] =	ssyncset.done $0x0  }
0x24: {  	[sflag:s13] =	ssyncadd.s32 $0xFFFFEC00  }
0x25: {  	[spmem:s14], [sflag:s6] =	dma.local [hbm:s7], $0x1400  }
0x26: {  	_ =	swait.ge [sflag:s13], $0x1400  }
0x27: {  	[sflag:s13] =	ssyncset.done $0x0  }
0x28: {  	[sflag:s13] =	ssyncadd.s32 $0xFFFFEC00  }
0x29: {  	[tilespmem:s4], [sflag:$0x5] =	stream.linear.gather [hbm4b:s8+s4], $0x2780, $0x38;
	[tilespmem:$0x1EF00] =	vst v63  }
0x2a: {  	_ =	swait.ge [sflag:s13], $0x2780  }
0x2b: {  	[sflag:s13] =	ssyncset.done $0x0  }
0x2c: {  	s21 =	simm.s32 $0x2780;
	[sflag:s13] =	ssyncadd.s32 $0xFFFFD880  }
0x2d: {  	[tilespmem:s21], [sflag:$0x5] =	stream.linear.gather [hbm4b:s9+s4], $0x2780, $0x38;
	[tilespmem:$0x1EF00] =	vst v63  }
0x2e: {  	_ =	swait.ge [sflag:s13], $0x2780  }
0x2f: {  	[sflag:s13] =	ssyncset.done $0x0  }
0x30: {  	[sflag:s13] =	ssyncadd.s32 $0xFFFFD880  }
0x31: {  	s22 =	simm.s32 $0x80;
	s23 =	simm.s32 $0x0;
	[bflag:$0x0] =	sbarrier.arrive $0xFFFF  }
0x32: {  	[tilespmem:s15], [sflag:$0x1] =	stream.indirect.gather [spmem:s3], $0x40, s4, s16, $0xb8;
	[tilespmem:$0x1EF00] =	vst v63  }
.LBB2_2:
0x33: {  	s25 =	smul.u32 $0xAB, s23;
	s24 =	sand.u32 $0x1, s23;
	p0 =	slt.u32 s23, $0x2  }
0x34: {  	s26 =	sadd.s32 $0x1, s24;
	p1 =	sne.s32 @!p0 s23, $0x4E  }
0x35: {  	s25 =	sshrl.u32 s25, $0x9;
	_ =	swait.ge [sflag:s26], $0x2000;
	p1 =	por p0, p1  }
.Ltmp2:
0x36: {  	s25 =	sand.u32 $0x7F, s25;
	[sflag:s26] =	ssyncset.done $0x0;
	(pc) =	sbr.rel @!p1 .LBB2_3-.Ltmp2, $4  }
0x37: {  	s25 =	smul.u32 $0x3, s25;
	[sflag:s26] =	ssyncadd.s32 $0xFFFFE000;
	s26 =	sadd.s32 @!p0 $0x3, s24  }
0x38: {  	_ =	swait.ge @!p0 [sflag:s26], $0x2000  }
0x39: {  	s25 =	ssub.s32 s23, s25;
	[sflag:s26] =	ssyncset.done @!p0 $0x0  }
0x3a: {  	s25 =	sand.u32 $0xFF, s25;
	[sflag:s26] =	ssyncadd.s32 @!p0 $0xFFFFE000  }
0x3b: {  	s23 =	sadd.s32 $0x1, s23  }
0x3c: {  	s26 =	smul.u32 $0xAB, s23;
	_ =	sdelay $0x1  }
0x3d: {  	s26 =	sshrl.u32 s26, $0x9  }
0x3e: {  	s26 =	sand.u32 $0x7F, s26  }
0x3f: {  	s26 =	smul.u32 $0x3, s26;
	_ =	sdelay $0x1  }
0x40: {  	s26 =	ssub.s32 s23, s26  }
0x41: {  	s26 =	sand.u32 $0xFF, s26  }
0x42: {  	s28 =	sand.u32 $0x1, s23;
	s26 =	sshll.u32 s26, $0xD  }
0x43: {  	p0 =	sne.s32 s23, $0x4F;
	s28 =	sadd.s32 $0x1, s28;
	s26 =	sadd.s32 $0x4F00, s26  }
0x44: {  	[tilespmem:s26], [sflag:s28] =	stream.indirect.gather [spmem:s3], $0x40, s22, s16, $0xb8;
	[tilespmem:$0x1EF00] =	vst v63  }
.Ltmp3:
0x45: {  	_ = 	snop;
	(pc) =	sbr.rel @p0 .LBB2_2-.Ltmp3, $4  }
.Ltmp4:
0x46: {  	s25 =	sshll.u32 s25, $0xD;
	(pc) =	sbr.rel @!p0 .LBB2_5-.Ltmp4, $4  }
0x47: {  	s24 =	sadd.s32 $0x3, s24;
	s25 =	sadd.s32 $0x4F00, s25  }
0x48: {  	[spmem:s2] =	stream.indirect.scatter.add.f32 [tilespmem:s25], [sflag:s24], $0x40, s21, s16, $0xb8;
	[tilespmem:$0x1EF00] =	vst v63  }
0x49: {  	s22 =	sadd.s32 $0x80, s22;
	s21 =	sadd.s32 $0x80, s21  }
0x4a: {  	_ = 	snop  }
.LBB2_6:
0x4b: {  	_ =	sfence.sel $0x180000  }
0x4c: {  	[bflag:$0x0] =	sbarrier.arrive $0xFFFF  }
0x4d: {  	p0 =	sne.s32 s1, $0x0;
	_ =	strace $0x9000004A  }
0x4e: {  	s0 =	sadd.s32 @!p0 $0x100000, s0;
	[bflag:$0x2] =	sbarrier.arrive $0xFFFF  }
0x4f: {  	[sflag:s0] =	ssyncadd.tile.s32 @!p0 $0x1;
	_ =	shalt  }
.Lfunc_end2:
_tile_overlayer_lowered:
.L_overlay_start_2:
0x50: {  	(tag) =	ssettag $0x2  }
0x51: {  	s0 =	rddreg [dreg:$0x0];
	s2 =	stileid.u32  }
0x52: {  	s1 =	rddreg [dreg:$0x1];
	p0 =	sne.s32 s2, $0x0  }
0x53: {  	s3 =	rddreg [dreg:$0x2];
	[bflag:$0x3] =	sbarrier.arrive $0xFFFF;
	s2 =	simm.s32 @!p0 $0x1C05  }
0x54: {  	[timem:s3], [sflag:s2] =	dma.local @!p0 [hbm:s0], s1  }
0x55: {  	s0 =	simm.s32 @!p0 $0x5  }
0x56: {  	_ =	swait.ge @!p0 [sflag:s0], s1  }
0x57: {  	s1 =	ssub.s32 @!p0 $0x0, s1;
	[sflag:s0] =	ssyncset.done @!p0 $0x0  }
0x58: {  	[sflag:s0] =	ssyncadd.s32 @!p0 s1  }
0x59: {  	[bflag:$0x3] =	sbarrier.arrive $0xFFFF  }
0x5a: {  	_ =	shalt  }

// kernel: _run.14.cloned.1.call-start
scs
__scs_entry_jumppad:
0x0: {  	(pc) =	sbr.rel $0x88, $3  }
0x1: {  	(tag) =	ssettag $0x0;
	lr =	simm.s32 $0x1  }
0x2: {  	[smem:$0x3F9B] =	sst lr;
	_ =	strace $0xD0000000  }
0x3: {  	_ = 	snop  }
0x4: {  	_ = 	snop  }
0x5: {  	_ = 	snop  }
0x6: {  	_ = 	snop  }
0x7: {  	_ = 	snop  }
__scs_overlays_trampoline_lowered:
0x8: {  	[smem:$0x3FAA] =	sst s0  }
0x9: {  	[smem:$0x3FAB] =	sst s1  }
0xa: {  	[smem:$0x3FAC] =	sst s2  }
0xb: {  	[smem:$0x3FAD] =	sst s3  }
0xc: {  	[smem:$0x3FAE] =	sst s4  }
0xd: {  	[smem:$0x3FAF] =	sst s5  }
0xe: {  	[smem:$0x3FB0] =	sst s6  }
0xf: {  	[smem:$0x3FB1] =	sst s7  }
0x10: {  	[smem:$0x3FB2] =	sst s8  }
0x11: {  	[smem:$0x3FB3] =	sst s9;
	s0 =	simm.s32 @!p0 $0x0  }
0x12: {  	s1 =	sld [smem:$0x3F99];
	s0 =	simm.s32 @p0 $0x1  }
0x13: {  	[smem:$0x3FB4] =	sst s0;
	s0 =	simm.s32 @!p1 $0x0  }
0x14: {  	s2 =	sld [smem:$0x3F98];
	s0 =	simm.s32 @p1 $0x1  }
0x15: {  	[smem:$0x3FB5] =	sst s0;
	s0 =	simm.s32 @!p2 $0x0  }
0x16: {  	s3 =	sld [smem:$0x3FDB];
	s0 =	simm.s32 @p2 $0x1  }
0x17: {  	s4 =	simm.s32 $0x1BF5;
	[smem:$0x3FB7] =	sst s0  }
0x18: {  	s0 =	sld [smem:$0x3F9A];
	_ =	swait.ge [sflag:s4], $0x0  }
0x19: {  	s7 =	sld [smem:$0x3F9B]  }
0x1a: {  	s8 =	sadd.s32 $0xFFFFE003, lr  }
0x1b: {  	s9 =	sadd.s32 $0xFFFFFEF7, lr;
	s5 =	simm.s32 $0xFFFFFFFF;
	p2 =	slt.u32 s8, $0xFFFFF086  }
0x1c: {  	p1 =	slt.u32 s9, $0xF7A;
	s5 =	simm.s32 @!p2 $0x0  }
0x1d: {  	s5 =	simm.s32 @p1 $0x1;
	p0 =	seq.s32 s7, s2  }
0x1e: {  	s7 =	smul.u32 @!p0 $0xF7A, s2;
	p2 =	seq.s32 @!p0 s5, $0x0  }
0x1f: {  	s9 =	smul.u32 $0xF7A, s1;
	s8 =	simm.s32 @!p0 $0x1BF5;
	p2 =	por !p2, p0  }
0x20: {  	[sflag:s8] =	ssyncset.s32 @!p0 $0xFFFFF086;
	s6 =	sadd.s32 @!p0 s3, s7;
	s7 =	simm.s32 @!p0 $0x108  }
0x21: {  	s3 =	sadd.s32 s3, s9;
	s6 =	sadd.s32 @!p0 $0x88, s6;
	s7 =	simm.s32 @p2 $0x1082  }
0x22: {  	[simem:s7], [sflag:s8] =	dma.local @!p0 [hbm:s6], $0xF7A  }
0x23: {  	s9 =	sor.u32 $0xD0000000, s2;
	s6 =	simm.s32 $0x108;
	_ =	swait.ge @!p0 [sflag:s8], $0x0  }
0x24: {  	s3 =	sadd.s32 $0x88, s3;
	s6 =	simm.s32 @!p1 $0x1082;
	[sflag:s4] =	ssyncset.s32 $0xFFFFF086  }
0x25: {  	[simem:s6], [sflag:s4] =	dma.local [hbm:s3], $0xF7A  }
0x26: {  	[smem:$0x3F9B] =	sst s1;
	(tag) =	ssettag s2;
	_ =	strace s9  }
0x27: {  	s1 =	sld [smem:$0x3FAB]  }
0x28: {  	s2 =	sld [smem:$0x3FAC]  }
0x29: {  	s4 =	sld [smem:$0x3FAE]  }
0x2a: {  	p0 =	seq.s32 s5, $0x0;
	s5 =	sld [smem:$0x3FAF]  }
0x2b: {  	s6 =	sld [smem:$0x3FB0]  }
0x2c: {  	s7 =	sld [smem:$0x3FB1]  }
0x2d: {  	s3 =	simm.s32 $0x108;
	s8 =	sld [smem:$0x3FB2]  }
0x2e: {  	s3 =	simm.s32 @!p0 $0x1082;
	s9 =	sld [smem:$0x3FB3]  }
0x2f: {  	lr =	sadd.s32 s0, s3;
	s0 =	sld [smem:$0x3FAA]  }
0x30: {  	s3 =	sld [smem:$0x3FAD]  }
0x31: {  	[smem:$0x3FB6] =	sst s10  }
0x32: {  	s10 =	sld [smem:$0x3FB4];
	_ =	sdelay $0x3  }
0x33: {  	p0 =	seq.s32 s10, $0x1;
	s10 =	sld [smem:$0x3FB6];
	_ =	sdelay $0x3  }
0x34: {  	[smem:$0x3FB6] =	sst s10  }
0x35: {  	s10 =	sld [smem:$0x3FB5];
	_ =	sdelay $0x3  }
0x36: {  	p1 =	seq.s32 s10, $0x1;
	s10 =	sld [smem:$0x3FB6];
	_ =	sdelay $0x3  }
0x37: {  	[smem:$0x3FB6] =	sst s10  }
0x38: {  	s10 =	sld [smem:$0x3FB7]  }
0x39: {  	_ = 	snop;
	(pc) =	sbr.ind lr, $3  }
0x3a: {  	_ = 	snop  }
0x3b: {  	_ = 	snop  }
0x3c: {  	p2 =	seq.s32 s10, $0x1;
	s10 =	sld [smem:$0x3FB6]  }
0x3d: {  	_ =	shalt  }
0x3e: {  	_ =	shalt  }
0x3f: {  	_ =	shalt  }
0x40: {  	_ =	shalt  }
0x41: {  	_ =	shalt  }
0x42: {  	_ =	shalt  }
0x43: {  	_ =	shalt  }
0x44: {  	_ =	shalt  }
0x45: {  	_ =	shalt  }
0x46: {  	_ =	shalt  }
0x47: {  	_ =	shalt  }
0x48: {  	_ =	shalt  }
0x49: {  	_ =	shalt  }
0x4a: {  	_ =	shalt  }
0x4b: {  	_ =	shalt  }
0x4c: {  	_ =	shalt  }
0x4d: {  	_ =	shalt  }
0x4e: {  	_ =	shalt  }
0x4f: {  	_ =	shalt  }
0x50: {  	_ =	shalt  }
0x51: {  	_ =	shalt  }
0x52: {  	_ =	shalt  }
0x53: {  	_ =	shalt  }
0x54: {  	_ =	shalt  }
0x55: {  	_ =	shalt  }
0x56: {  	_ =	shalt  }
0x57: {  	_ =	shalt  }
0x58: {  	_ =	shalt  }
0x59: {  	_ =	shalt  }
0x5a: {  	_ =	shalt  }
0x5b: {  	_ =	shalt  }
0x5c: {  	_ =	shalt  }
0x5d: {  	_ =	shalt  }
0x5e: {  	_ =	shalt  }
0x5f: {  	_ =	shalt  }
0x60: {  	_ =	shalt  }
0x61: {  	_ =	shalt  }
0x62: {  	_ =	shalt  }
0x63: {  	_ =	shalt  }
0x64: {  	_ =	shalt  }
0x65: {  	_ =	shalt  }
0x66: {  	_ =	shalt  }
0x67: {  	_ =	shalt  }
0x68: {  	_ =	shalt  }
0x69: {  	_ =	shalt  }
0x6a: {  	_ =	shalt  }
0x6b: {  	_ =	shalt  }
0x6c: {  	_ =	shalt  }
0x6d: {  	_ =	shalt  }
0x6e: {  	_ =	shalt  }
0x6f: {  	_ =	shalt  }
0x70: {  	_ =	shalt  }
0x71: {  	_ =	shalt  }
0x72: {  	_ =	shalt  }
0x73: {  	_ =	shalt  }
0x74: {  	_ =	shalt  }
0x75: {  	_ =	shalt  }
0x76: {  	_ =	shalt  }
0x77: {  	_ =	shalt  }
0x78: {  	_ =	shalt  }
0x79: {  	_ =	shalt  }
0x7a: {  	_ =	shalt  }
0x7b: {  	_ =	shalt  }
0x7c: {  	_ =	shalt  }
0x7d: {  	_ =	shalt  }
0x7e: {  	_ =	shalt  }
0x7f: {  	_ =	shalt  }
0x80: {  	_ =	shalt  }
0x81: {  	_ =	shalt  }
0x82: {  	_ =	shalt  }
0x83: {  	_ =	shalt  }
0x84: {  	_ =	shalt  }
0x85: {  	_ =	shalt  }
0x86: {  	_ =	shalt  }
0x87: {  	_ =	shalt  }
.Lfunc_end0:
.L_simem_size_0:
called_computation.2_lowered:
.L_overlay_start_0:
0x88: {  	s2 =	sld [smem:$0x3FD9]  }
0x89: {  	s3 =	sld [smem:$0x3FFE];
	_ =	sdelay $0x1  }
0x8a: {  	s1 =	srdreg.scid  }
0x8b: {  	s0 =	sand.u32 $0x1, s1  }
0x8c: {  	s17 =	sshll.u32 s0, $0xA;
	s2 =	sadd.s32 s3, s2  }
0x8d: {  	s2 =	sadd.s32 s2, s17  }
0x8e: {  	[smem:$0x3FC2] =	sst s2  }
0x8f: {  	_ = 	snop  }
0x90: {  	s2 =	sld [smem:$0x3FD0];
	(tm) =	ssettm $0x1  }
0x91: {  	s18 =	sld [smem:$0x3FFB];
	_ =	sdelay $0x3  }
0x92: {  	_ =	strace s18  }
0x93: {  	s3 =	sld [smem:$0x3FFC];
	_ =	sdelay $0x3  }
0x94: {  	_ =	strace s3  }
0x95: {  	s3 =	sld [smem:$0x3FFD];
	_ =	sdelay $0x3  }
0x96: {  	_ =	strace s3  }
0x97: {  	_ =	strace $0x8FFFFFFF  }
0x98: {  	s19 =	sld [smem:$0x3FDB];
	_ =	sdelay $0x1  }
0x99: {  	s4 =	simm.s32 $_scs_section_size  }
0x9a: {  	s5 =	simm.s32 $_size__tile_overlayer_lowered;
	s6 =	simm.s32 $_tile_overlayer_lowered  }
0x9b: {  	s22 =	simm.s32 $0x1BFF;
	s21 =	sshll.u32 s6, $0x1;
	s3 =	sadd.s32 s4, s19  }
0x9c: {  	s7 =	simm.s32 $0x0;
	s20 =	sshll.u32 s5, $0x1;
	s5 =	sadd.s32 s21, s3  }
0x9d: {  	[timem:s7], [sflag:s22] =	dma.local [hbm:s5], s20  }
0x9e: {  	_ =	swait.ge [sflag:s22], s20  }
0x9f: {  	s4 =	ssub.s32 $0x0, s20;
	[sflag:s22] =	ssyncset.done $0x0  }
0xa0: {  	[sflag:s22] =	ssyncadd.s32 s4;
	_ =	sdelay $0x1  }
0xa1: {  	s23 =	simm.s32 $0x1B8B  }
0xa2: {  	_ =	swait.ge [sflag:s23], $0x1  }
0xa3: {  	[sflag:s23] =	ssyncset.done $0x0  }
0xa4: {  	s25 =	simm.s32 $0x1B8E;
	s24 =	sld [smem:$0x3FFE];
	[sflag:s23] =	ssyncadd.s32 $0xFFFFFFFF  }
0xa5: {  	s26 =	simm.s32 $execute0_lowered;
	[smem:$0x3FD2] =	sst s25  }
0xa6: {  	s5 =	sshll.u32 s26, $0x1;
	_ =	strace $0x8000004C;
	[dreg:$0x1] =	wrdreg $0xFFFFFFFF  }
0xa7: {  	s28 =	simm.s32 $_size_execute0_lowered;
	s3 =	sadd.s32 s3, s5;
	[dreg:$0x0] =	wrdreg $0x0  }
0xa8: {  	s5 =	sshll.u32 s28, $0x1;
	[dreg:$0x2] =	wrdreg s3  }
0xa9: {  	[dreg:$0x3] =	wrdreg s5  }
0xaa: {  	[dreg:$0x4] =	wrdreg $0xC0  }
0xab: {  	_ =	task [dreg:s7], $0x5FFFF  }
0xac: {  	[dreg:$0x1] =	wrdreg $0xFFFFFFFF  }
0xad: {  	[dreg:$0x0] =	wrdreg $0x60  }
0xae: {  	[dreg:$0x2] =	wrdreg s24  }
0xaf: {  	[dreg:$0x3] =	wrdreg s2  }
0xb0: {  	[dreg:$0x4] =	wrdreg $0xAF000  }
0xb1: {  	[dreg:$0x5] =	wrdreg $0x14F000  }
0xb2: {  	[dreg:$0x6] =	wrdreg $0x9  }
0xb3: {  	_ =	task.clear_ibuf [dreg:s7], $0x7FFFF;
	_ =	strace $0x9000004C  }
0xb4: {  	s29 =	simm.s32 $0x9;
	_ =	strace $0x8000004E  }
0xb5: {  	_ =	swait.ge [sflag:s29], $0x1  }
0xb6: {  	[sflag:s29] =	ssyncadd.s32 $0xFFFFFFFF  }
0xb7: {  	_ =	strace $0x9000004E  }
0xb8: {  	_ =	sfence  }
0xb9: {  	s30 =	sld [smem:$0x0];
	_ =	sdelay $0x2  }
0xba: {  	s31 =	sshll.u32 s1, $0xD;
	s1 =	sshrl.u32 s1, $0x2  }
0xbb: {  	s3 =	sand.u32 $0x4000, s31;
	s1 =	sadd.s32 s1, s30  }
0xbc: {  	s0 =	sor.u32 s3, s0;
	s1 =	sshll.u32 s1, $0x11  }
0xbd: {  	s0 =	sor.u32 s1, s0  }
0xbe: {  	s0 =	sadd.s32 $0x8F2B, s0  }
0xbf: {  	[sflag:s0] =	ssyncadd.remote.s32 $0x1  }
0xc0: {  	_ =	sfence.sel $0xFFFF  }
0xc1: {  	[dreg:$0x0] =	wrdreg $0xFFFFFFFF;
	(pc) =	sbr.abs _section_cstart, $3  }
0xc2: {  	[dreg:$0x1] =	wrdreg $0xFFFFFFFF  }
0xc3: {  	_ =	task.clear_ibuf [dreg:s7], $0x2FFFF;
	_ =	strace $0x9FFFFFFF  }
0xc4: {  	(tm) =	ssettm $0x7FFFFFFF  }
0xc5: {  	_ =	shalt  }
tec
execute0_lowered:
.L_overlay_start_1:
0x0: {  	(tag) =	ssettag $0x1  }
0x1: {  	s5 =	rddreg [dreg:$0x0]  }
0x2: {  	s8 =	rddreg [dreg:$0x1]  }
0x3: {  	s2 =	rddreg [dreg:$0x2]  }
0x4: {  	s3 =	rddreg [dreg:$0x3]  }
0x5: {  	s4 =	srdreg.scid;
	s0 =	rddreg [dreg:$0x4]  }
0x6: {  	s1 =	stileid.u32;
	s16 =	simm.s32 $0x80;
	s17 =	simm.s32 $0x4E80  }
0x7: {  	s18 =	simm.s32 $0x4;
	s19 =	simm.s32 $0x3;
	s20 =	simm.s32 $0x0  }
0x8: {  	s6 =	sand.u32 $0x1, s4;
	s4 =	simm.s32 $0x0;
	s7 =	smul.u32 $0xA000, s1  }
0x9: {  	s31 =	sshll.u32 s1, $0x6;
	s9 =	sshll.u32 s6, $0x4;
	[smem:$0x7FF] =	sst s4  }
0xa: {  	s10 =	smul.u32 $0xA0000, s6;
	s6 =	ssub.s32 $0x2, s6;
	s9 =	sor.u32 s1, s9  }
0xb: {  	_ =	strace $0x8000004D;
	s11 =	sshrl.u32 s7, $0x3;
	s13 =	sshrl.u32 s6, $0x1  }
0xc: {  	s14 =	sadd.s32 s7, s2;
	s15 =	sadd.s32 s7, s3;
	s9 =	smul.u32 $0x4F0, s9  }
0xd: {  	s11 =	sadd.s32 s11, s5;
	s10 =	sadd.s32 s7, s10;
	s13 =	ssub.s32 s6, s13  }
.Ltmp0:
0xe: {  	s6 =	sor.u32 $0x1C05, s31;
	s10 =	sshrl.u32 s10, $0x3;
	(pc) =	sbr.rel .LBB2_1-.Ltmp0, $4  }
0xf: {  	s7 =	sadd.s32 $0xB600, s11;
	s12 =	sadd.s32 s9, s5;
	s10 =	sadd.s32 s10, s5  }
0x10: {  	s5 =	sadd.s32 $0x1F600, s11;
	s8 =	sadd.s32 s8, s9;
	s11 =	smax.u32 s13, $0x1  }
0x11: {  	s13 =	simm.s32 $0x5;
	s9 =	sadd.s32 $0x1800, s12;
	s10 =	sadd.s32 $0x33600, s10  }
0x12: {  	s12 =	sshrl.u32 s14, $0x3;
	s14 =	sshrl.u32 s15, $0x3;
	s15 =	simm.s32 $0x4F00  }
.LBB2_3:
0x13: {  	s21 =	sshll.u32 s25, $0xD  }
0x14: {  	s21 =	sadd.s32 $0x4F00, s21  }
0x15: {  	[spmem:s2] =	stream.indirect.scatter.add.f32 [tilespmem:s21], [sflag:s26], $0x40, s17, s16, $0xb8;
	[tilespmem:$0x1EF00] =	vst v63  }
.LBB2_5:
0x16: {  	_ =	swait.ge [sflag:s18], $0x2000  }
0x17: {  	[sflag:s18] =	ssyncset.done $0x0  }
0x18: {  	[sflag:s18] =	ssyncadd.s32 $0xFFFFE000  }
0x19: {  	_ =	swait.ge [sflag:s19], $0x2000  }
0x1a: {  	s20 =	sadd.s32 $0x1, s20;
	[sflag:s19] =	ssyncset.done $0x0  }
0x1b: {  	p0 =	sne.s32 s20, s11;
	[sflag:s19] =	ssyncadd.s32 $0xFFFFE000  }
.Ltmp1:
0x1c: {  	[bflag:$0x0] =	sbarrier.arrive $0xFFFF;
	(pc) =	sbr.rel @!p0 .LBB2_6-.Ltmp1, $4  }
0x1d: {  	[hbm:s10], [sflag:s6] =	dma.local [spmem:s12], $0x1400  }
0x1e: {  	_ =	swait.ge [sflag:s13], $0x1400  }
0x1f: {  	[sflag:s13] =	ssyncset.done $0x0  }
0x20: {  	[sflag:s13] =	ssyncadd.s32 $0xFFFFEC00  }
.LBB2_1:
0x21: {  	[spmem:s12], [sflag:s6] =	dma.local [hbm:s5], $0x1400  }
0x22: {  	_ =	swait.ge [sflag:s13], $0x1400  }
0x23: {  	[sflag:s13] =	ssyncset.done $0x0  }
0x24: {  	[sflag:s13] =	ssyncadd.s32 $0xFFFFEC00  }
0x25: {  	[spmem:s14], [sflag:s6] =	dma.local [hbm:s7], $0x1400  }
0x26: {  	_ =	swait.ge [sflag:s13], $0x1400  }
0x27: {  	[sflag:s13] =	ssyncset.done $0x0  }
0x28: {  	[sflag:s13] =	ssyncadd.s32 $0xFFFFEC00  }
0x29: {  	[tilespmem:s4], [sflag:$0x5] =	stream.linear.gather [hbm4b:s8+s4], $0x2780, $0x38;
	[tilespmem:$0x1EF00] =	vst v63  }
0x2a: {  	_ =	swait.ge [sflag:s13], $0x2780  }
0x2b: {  	[sflag:s13] =	ssyncset.done $0x0  }
0x2c: {  	s21 =	simm.s32 $0x2780;
	[sflag:s13] =	ssyncadd.s32 $0xFFFFD880  }
0x2d: {  	[tilespmem:s21], [sflag:$0x5] =	stream.linear.gather [hbm4b:s9+s4], $0x2780, $0x38;
	[tilespmem:$0x1EF00] =	vst v63  }
0x2e: {  	_ =	swait.ge [sflag:s13], $0x2780  }
0x2f: {  	[sflag:s13] =	ssyncset.done $0x0  }
0x30: {  	[sflag:s13] =	ssyncadd.s32 $0xFFFFD880  }
0x31: {  	s22 =	simm.s32 $0x80;
	s23 =	simm.s32 $0x0;
	[bflag:$0x0] =	sbarrier.arrive $0xFFFF  }
0x32: {  	[tilespmem:s15], [sflag:$0x1] =	stream.indirect.gather [spmem:s3], $0x40, s4, s16, $0xb8;
	[tilespmem:$0x1EF00] =	vst v63  }
.LBB2_2:
0x33: {  	s25 =	smul.u32 $0xAB, s23;
	s24 =	sand.u32 $0x1, s23;
	p0 =	slt.u32 s23, $0x2  }
0x34: {  	s26 =	sadd.s32 $0x1, s24;
	p1 =	sne.s32 @!p0 s23, $0x4E  }
0x35: {  	s25 =	sshrl.u32 s25, $0x9;
	_ =	swait.ge [sflag:s26], $0x2000;
	p1 =	por p0, p1  }
.Ltmp2:
0x36: {  	s25 =	sand.u32 $0x7F, s25;
	[sflag:s26] =	ssyncset.done $0x0;
	(pc) =	sbr.rel @!p1 .LBB2_3-.Ltmp2, $4  }
0x37: {  	s25 =	smul.u32 $0x3, s25;
	[sflag:s26] =	ssyncadd.s32 $0xFFFFE000;
	s26 =	sadd.s32 @!p0 $0x3, s24  }
0x38: {  	_ =	swait.ge @!p0 [sflag:s26], $0x2000  }
0x39: {  	s25 =	ssub.s32 s23, s25;
	[sflag:s26] =	ssyncset.done @!p0 $0x0  }
0x3a: {  	s25 =	sand.u32 $0xFF, s25;
	[sflag:s26] =	ssyncadd.s32 @!p0 $0xFFFFE000  }
0x3b: {  	s23 =	sadd.s32 $0x1, s23  }
0x3c: {  	s26 =	smul.u32 $0xAB, s23;
	_ =	sdelay $0x1  }
0x3d: {  	s26 =	sshrl.u32 s26, $0x9  }
0x3e: {  	s26 =	sand.u32 $0x7F, s26  }
0x3f: {  	s26 =	smul.u32 $0x3, s26;
	_ =	sdelay $0x1  }
0x40: {  	s26 =	ssub.s32 s23, s26  }
0x41: {  	s26 =	sand.u32 $0xFF, s26  }
0x42: {  	s28 =	sand.u32 $0x1, s23;
	s26 =	sshll.u32 s26, $0xD  }
0x43: {  	p0 =	sne.s32 s23, $0x4F;
	s28 =	sadd.s32 $0x1, s28;
	s26 =	sadd.s32 $0x4F00, s26  }
0x44: {  	[tilespmem:s26], [sflag:s28] =	stream.indirect.gather [spmem:s3], $0x40, s22, s16, $0xb8;
	[tilespmem:$0x1EF00] =	vst v63  }
.Ltmp3:
0x45: {  	_ = 	snop;
	(pc) =	sbr.rel @p0 .LBB2_2-.Ltmp3, $4  }
.Ltmp4:
0x46: {  	s25 =	sshll.u32 s25, $0xD;
	(pc) =	sbr.rel @!p0 .LBB2_5-.Ltmp4, $4  }
0x47: {  	s24 =	sadd.s32 $0x3, s24;
	s25 =	sadd.s32 $0x4F00, s25  }
0x48: {  	[spmem:s2] =	stream.indirect.scatter.add.f32 [tilespmem:s25], [sflag:s24], $0x40, s21, s16, $0xb8;
	[tilespmem:$0x1EF00] =	vst v63  }
0x49: {  	s22 =	sadd.s32 $0x80, s22;
	s21 =	sadd.s32 $0x80, s21  }
0x4a: {  	_ = 	snop  }
.LBB2_6:
0x4b: {  	_ =	sfence.sel $0x180000  }
0x4c: {  	[bflag:$0x0] =	sbarrier.arrive $0xFFFF  }
0x4d: {  	p0 =	sne.s32 s1, $0x0;
	_ =	strace $0x9000004D  }
0x4e: {  	s0 =	sadd.s32 @!p0 $0x100000, s0;
	[bflag:$0x2] =	sbarrier.arrive $0xFFFF  }
0x4f: {  	[sflag:s0] =	ssyncadd.tile.s32 @!p0 $0x1;
	_ =	shalt  }
.Lfunc_end2:
_tile_overlayer_lowered:
.L_overlay_start_2:
0x50: {  	(tag) =	ssettag $0x2  }
0x51: {  	s0 =	rddreg [dreg:$0x0];
	s2 =	stileid.u32  }
0x52: {  	s1 =	rddreg [dreg:$0x1];
	p0 =	sne.s32 s2, $0x0  }
0x53: {  	s3 =	rddreg [dreg:$0x2];
	[bflag:$0x3] =	sbarrier.arrive $0xFFFF;
	s2 =	simm.s32 @!p0 $0x1C05  }
0x54: {  	[timem:s3], [sflag:s2] =	dma.local @!p0 [hbm:s0], s1  }
0x55: {  	s0 =	simm.s32 @!p0 $0x5  }
0x56: {  	_ =	swait.ge @!p0 [sflag:s0], s1  }
0x57: {  	s1 =	ssub.s32 @!p0 $0x0, s1;
	[sflag:s0] =	ssyncset.done @!p0 $0x0  }
0x58: {  	[sflag:s0] =	ssyncadd.s32 @!p0 s1  }
0x59: {  	[bflag:$0x3] =	sbarrier.arrive $0xFFFF  }
0x5a: {  	_ =	shalt  }

// kernel: _run.8.cloned.1.call-start
scs
__scs_entry_jumppad:
0x0: {  	(pc) =	sbr.rel $0x88, $3  }
0x1: {  	(tag) =	ssettag $0x0;
	lr =	simm.s32 $0x1  }
0x2: {  	[smem:$0x3F9B] =	sst lr;
	_ =	strace $0xD0000000  }
0x3: {  	_ = 	snop  }
0x4: {  	_ = 	snop  }
0x5: {  	_ = 	snop  }
0x6: {  	_ = 	snop  }
0x7: {  	_ = 	snop  }
__scs_overlays_trampoline_lowered:
0x8: {  	[smem:$0x3FAA] =	sst s0  }
0x9: {  	[smem:$0x3FAB] =	sst s1  }
0xa: {  	[smem:$0x3FAC] =	sst s2  }
0xb: {  	[smem:$0x3FAD] =	sst s3  }
0xc: {  	[smem:$0x3FAE] =	sst s4  }
0xd: {  	[smem:$0x3FAF] =	sst s5  }
0xe: {  	[smem:$0x3FB0] =	sst s6  }
0xf: {  	[smem:$0x3FB1] =	sst s7  }
0x10: {  	[smem:$0x3FB2] =	sst s8  }
0x11: {  	[smem:$0x3FB3] =	sst s9;
	s0 =	simm.s32 @!p0 $0x0  }
0x12: {  	s1 =	sld [smem:$0x3F99];
	s0 =	simm.s32 @p0 $0x1  }
0x13: {  	[smem:$0x3FB4] =	sst s0;
	s0 =	simm.s32 @!p1 $0x0  }
0x14: {  	s2 =	sld [smem:$0x3F98];
	s0 =	simm.s32 @p1 $0x1  }
0x15: {  	[smem:$0x3FB5] =	sst s0;
	s0 =	simm.s32 @!p2 $0x0  }
0x16: {  	s3 =	sld [smem:$0x3FDB];
	s0 =	simm.s32 @p2 $0x1  }
0x17: {  	s4 =	simm.s32 $0x1BF5;
	[smem:$0x3FB7] =	sst s0  }
0x18: {  	s0 =	sld [smem:$0x3F9A];
	_ =	swait.ge [sflag:s4], $0x0  }
0x19: {  	s7 =	sld [smem:$0x3F9B]  }
0x1a: {  	s8 =	sadd.s32 $0xFFFFE003, lr  }
0x1b: {  	s9 =	sadd.s32 $0xFFFFFEF7, lr;
	s5 =	simm.s32 $0xFFFFFFFF;
	p2 =	slt.u32 s8, $0xFFFFF086  }
0x1c: {  	p1 =	slt.u32 s9, $0xF7A;
	s5 =	simm.s32 @!p2 $0x0  }
0x1d: {  	s5 =	simm.s32 @p1 $0x1;
	p0 =	seq.s32 s7, s2  }
0x1e: {  	s7 =	smul.u32 @!p0 $0xF7A, s2;
	p2 =	seq.s32 @!p0 s5, $0x0  }
0x1f: {  	s9 =	smul.u32 $0xF7A, s1;
	s8 =	simm.s32 @!p0 $0x1BF5;
	p2 =	por !p2, p0  }
0x20: {  	[sflag:s8] =	ssyncset.s32 @!p0 $0xFFFFF086;
	s6 =	sadd.s32 @!p0 s3, s7;
	s7 =	simm.s32 @!p0 $0x108  }
0x21: {  	s3 =	sadd.s32 s3, s9;
	s6 =	sadd.s32 @!p0 $0x88, s6;
	s7 =	simm.s32 @p2 $0x1082  }
0x22: {  	[simem:s7], [sflag:s8] =	dma.local @!p0 [hbm:s6], $0xF7A  }
0x23: {  	s9 =	sor.u32 $0xD0000000, s2;
	s6 =	simm.s32 $0x108;
	_ =	swait.ge @!p0 [sflag:s8], $0x0  }
0x24: {  	s3 =	sadd.s32 $0x88, s3;
	s6 =	simm.s32 @!p1 $0x1082;
	[sflag:s4] =	ssyncset.s32 $0xFFFFF086  }
0x25: {  	[simem:s6], [sflag:s4] =	dma.local [hbm:s3], $0xF7A  }
0x26: {  	[smem:$0x3F9B] =	sst s1;
	(tag) =	ssettag s2;
	_ =	strace s9  }
0x27: {  	s1 =	sld [smem:$0x3FAB]  }
0x28: {  	s2 =	sld [smem:$0x3FAC]  }
0x29: {  	s4 =	sld [smem:$0x3FAE]  }
0x2a: {  	p0 =	seq.s32 s5, $0x0;
	s5 =	sld [smem:$0x3FAF]  }
0x2b: {  	s6 =	sld [smem:$0x3FB0]  }
0x2c: {  	s7 =	sld [smem:$0x3FB1]  }
0x2d: {  	s3 =	simm.s32 $0x108;
	s8 =	sld [smem:$0x3FB2]  }
0x2e: {  	s3 =	simm.s32 @!p0 $0x1082;
	s9 =	sld [smem:$0x3FB3]  }
0x2f: {  	lr =	sadd.s32 s0, s3;
	s0 =	sld [smem:$0x3FAA]  }
0x30: {  	s3 =	sld [smem:$0x3FAD]  }
0x31: {  	[smem:$0x3FB6] =	sst s10  }
0x32: {  	s10 =	sld [smem:$0x3FB4];
	_ =	sdelay $0x3  }
0x33: {  	p0 =	seq.s32 s10, $0x1;
	s10 =	sld [smem:$0x3FB6];
	_ =	sdelay $0x3  }
0x34: {  	[smem:$0x3FB6] =	sst s10  }
0x35: {  	s10 =	sld [smem:$0x3FB5];
	_ =	sdelay $0x3  }
0x36: {  	p1 =	seq.s32 s10, $0x1;
	s10 =	sld [smem:$0x3FB6];
	_ =	sdelay $0x3  }
0x37: {  	[smem:$0x3FB6] =	sst s10  }
0x38: {  	s10 =	sld [smem:$0x3FB7]  }
0x39: {  	_ = 	snop;
	(pc) =	sbr.ind lr, $3  }
0x3a: {  	_ = 	snop  }
0x3b: {  	_ = 	snop  }
0x3c: {  	p2 =	seq.s32 s10, $0x1;
	s10 =	sld [smem:$0x3FB6]  }
0x3d: {  	_ =	shalt  }
0x3e: {  	_ =	shalt  }
0x3f: {  	_ =	shalt  }
0x40: {  	_ =	shalt  }
0x41: {  	_ =	shalt  }
0x42: {  	_ =	shalt  }
0x43: {  	_ =	shalt  }
0x44: {  	_ =	shalt  }
0x45: {  	_ =	shalt  }
0x46: {  	_ =	shalt  }
0x47: {  	_ =	shalt  }
0x48: {  	_ =	shalt  }
0x49: {  	_ =	shalt  }
0x4a: {  	_ =	shalt  }
0x4b: {  	_ =	shalt  }
0x4c: {  	_ =	shalt  }
0x4d: {  	_ =	shalt  }
0x4e: {  	_ =	shalt  }
0x4f: {  	_ =	shalt  }
0x50: {  	_ =	shalt  }
0x51: {  	_ =	shalt  }
0x52: {  	_ =	shalt  }
0x53: {  	_ =	shalt  }
0x54: {  	_ =	shalt  }
0x55: {  	_ =	shalt  }
0x56: {  	_ =	shalt  }
0x57: {  	_ =	shalt  }
0x58: {  	_ =	shalt  }
0x59: {  	_ =	shalt  }
0x5a: {  	_ =	shalt  }
0x5b: {  	_ =	shalt  }
0x5c: {  	_ =	shalt  }
0x5d: {  	_ =	shalt  }
0x5e: {  	_ =	shalt  }
0x5f: {  	_ =	shalt  }
0x60: {  	_ =	shalt  }
0x61: {  	_ =	shalt  }
0x62: {  	_ =	shalt  }
0x63: {  	_ =	shalt  }
0x64: {  	_ =	shalt  }
0x65: {  	_ =	shalt  }
0x66: {  	_ =	shalt  }
0x67: {  	_ =	shalt  }
0x68: {  	_ =	shalt  }
0x69: {  	_ =	shalt  }
0x6a: {  	_ =	shalt  }
0x6b: {  	_ =	shalt  }
0x6c: {  	_ =	shalt  }
0x6d: {  	_ =	shalt  }
0x6e: {  	_ =	shalt  }
0x6f: {  	_ =	shalt  }
0x70: {  	_ =	shalt  }
0x71: {  	_ =	shalt  }
0x72: {  	_ =	shalt  }
0x73: {  	_ =	shalt  }
0x74: {  	_ =	shalt  }
0x75: {  	_ =	shalt  }
0x76: {  	_ =	shalt  }
0x77: {  	_ =	shalt  }
0x78: {  	_ =	shalt  }
0x79: {  	_ =	shalt  }
0x7a: {  	_ =	shalt  }
0x7b: {  	_ =	shalt  }
0x7c: {  	_ =	shalt  }
0x7d: {  	_ =	shalt  }
0x7e: {  	_ =	shalt  }
0x7f: {  	_ =	shalt  }
0x80: {  	_ =	shalt  }
0x81: {  	_ =	shalt  }
0x82: {  	_ =	shalt  }
0x83: {  	_ =	shalt  }
0x84: {  	_ =	shalt  }
0x85: {  	_ =	shalt  }
0x86: {  	_ =	shalt  }
0x87: {  	_ =	shalt  }
.Lfunc_end0:
.L_simem_size_0:
called_computation_lowered:
.L_overlay_start_0:
0x88: {  	s2 =	sld [smem:$0x3FD9]  }
0x89: {  	s3 =	sld [smem:$0x3FFE];
	_ =	sdelay $0x1  }
0x8a: {  	s1 =	srdreg.scid  }
0x8b: {  	s0 =	sand.u32 $0x1, s1  }
0x8c: {  	s17 =	sshll.u32 s0, $0xA;
	s2 =	sadd.s32 s3, s2  }
0x8d: {  	s2 =	sadd.s32 s2, s17  }
0x8e: {  	[smem:$0x3FC2] =	sst s2  }
0x8f: {  	_ = 	snop  }
0x90: {  	s2 =	sld [smem:$0x3FD0];
	(tm) =	ssettm $0x1  }
0x91: {  	s18 =	sld [smem:$0x3FFB];
	_ =	sdelay $0x3  }
0x92: {  	_ =	strace s18  }
0x93: {  	s3 =	sld [smem:$0x3FFC];
	_ =	sdelay $0x3  }
0x94: {  	_ =	strace s3  }
0x95: {  	s3 =	sld [smem:$0x3FFD];
	_ =	sdelay $0x3  }
0x96: {  	_ =	strace s3  }
0x97: {  	_ =	strace $0x8FFFFFFF  }
0x98: {  	s19 =	sld [smem:$0x3FDB];
	_ =	sdelay $0x1  }
0x99: {  	s4 =	simm.s32 $_scs_section_size  }
0x9a: {  	s5 =	simm.s32 $_size__tile_overlayer_lowered;
	s6 =	simm.s32 $_tile_overlayer_lowered  }
0x9b: {  	s22 =	simm.s32 $0x1BFF;
	s21 =	sshll.u32 s6, $0x1;
	s3 =	sadd.s32 s4, s19  }
0x9c: {  	s7 =	simm.s32 $0x0;
	s20 =	sshll.u32 s5, $0x1;
	s5 =	sadd.s32 s21, s3  }
0x9d: {  	[timem:s7], [sflag:s22] =	dma.local [hbm:s5], s20  }
0x9e: {  	_ =	swait.ge [sflag:s22], s20  }
0x9f: {  	s4 =	ssub.s32 $0x0, s20;
	[sflag:s22] =	ssyncset.done $0x0  }
0xa0: {  	[sflag:s22] =	ssyncadd.s32 s4;
	_ =	sdelay $0x1  }
0xa1: {  	s23 =	simm.s32 $0x1B8B  }
0xa2: {  	_ =	swait.ge [sflag:s23], $0x1  }
0xa3: {  	[sflag:s23] =	ssyncset.done $0x0  }
0xa4: {  	s25 =	simm.s32 $0x1B8E;
	s24 =	sld [smem:$0x3FFE];
	[sflag:s23] =	ssyncadd.s32 $0xFFFFFFFF  }
0xa5: {  	s26 =	simm.s32 $execute0_lowered;
	[smem:$0x3FD2] =	sst s25  }
0xa6: {  	s5 =	sshll.u32 s26, $0x1;
	_ =	strace $0x80000046;
	[dreg:$0x1] =	wrdreg $0xFFFFFFFF  }
0xa7: {  	s28 =	simm.s32 $_size_execute0_lowered;
	s3 =	sadd.s32 s3, s5;
	[dreg:$0x0] =	wrdreg $0x0  }
0xa8: {  	s5 =	sshll.u32 s28, $0x1;
	[dreg:$0x2] =	wrdreg s3  }
0xa9: {  	[dreg:$0x3] =	wrdreg s5  }
0xaa: {  	[dreg:$0x4] =	wrdreg $0xC0  }
0xab: {  	_ =	task [dreg:s7], $0x5FFFF  }
0xac: {  	[dreg:$0x1] =	wrdreg $0xFFFFFFFF  }
0xad: {  	[dreg:$0x0] =	wrdreg $0x60  }
0xae: {  	[dreg:$0x2] =	wrdreg s2  }
0xaf: {  	[dreg:$0x3] =	wrdreg s24  }
0xb0: {  	[dreg:$0x4] =	wrdreg $0xA6800  }
0xb1: {  	[dreg:$0x5] =	wrdreg $0x9  }
0xb2: {  	_ =	task.clear_ibuf [dreg:s7], $0x6FFFF;
	_ =	strace $0x90000046  }
0xb3: {  	s29 =	simm.s32 $0x9;
	_ =	strace $0x80000048  }
0xb4: {  	_ =	swait.ge [sflag:s29], $0x1  }
0xb5: {  	[sflag:s29] =	ssyncadd.s32 $0xFFFFFFFF  }
0xb6: {  	_ =	strace $0x90000048  }
0xb7: {  	_ =	sfence  }
0xb8: {  	s30 =	sld [smem:$0x0];
	_ =	sdelay $0x2  }
0xb9: {  	s31 =	sshll.u32 s1, $0xD;
	s1 =	sshrl.u32 s1, $0x2  }
0xba: {  	s3 =	sand.u32 $0x4000, s31;
	s1 =	sadd.s32 s1, s30  }
0xbb: {  	s0 =	sor.u32 s3, s0;
	s1 =	sshll.u32 s1, $0x11  }
0xbc: {  	s0 =	sor.u32 s1, s0  }
0xbd: {  	s0 =	sadd.s32 $0x8F2B, s0  }
0xbe: {  	[sflag:s0] =	ssyncadd.remote.s32 $0x1  }
0xbf: {  	_ =	sfence.sel $0xFFFF  }
0xc0: {  	[dreg:$0x0] =	wrdreg $0xFFFFFFFF;
	(pc) =	sbr.abs _section_cstart, $3  }
0xc1: {  	[dreg:$0x1] =	wrdreg $0xFFFFFFFF  }
0xc2: {  	_ =	task.clear_ibuf [dreg:s7], $0x2FFFF;
	_ =	strace $0x9FFFFFFF  }
0xc3: {  	(tm) =	ssettm $0x7FFFFFFF  }
tec
execute0_lowered:
.L_overlay_start_1:
0x0: {  	(tag) =	ssettag $0x1  }
0x1: {  	s3 =	rddreg [dreg:$0x0]  }
0x2: {  	s4 =	rddreg [dreg:$0x1]  }
0x3: {  	s6 =	rddreg [dreg:$0x2];
	s2 =	srdreg.scid  }
0x4: {  	s0 =	rddreg [dreg:$0x3];
	s1 =	stileid.u32  }
0x5: {  	s13 =	simm.s32 $0x7700;
	s14 =	simm.s32 $0xA180;
	s15 =	simm.s32 $0x9F00  }
0x6: {  	s16 =	simm.s32 $0xA400;
	s17 =	simm.s32 $0x0;
	s8 =	smul.u32 $0x280, s1  }
0x7: {  	s5 =	sand.u32 $0x1, s2;
	s2 =	simm.s32 $0x0;
	s10 =	smul.u32 $0xA000, s1  }
0x8: {  	s7 =	sshll.u32 s5, $0x4;
	[smem:$0x7FF] =	sst s2;
	s9 =	smul.u32 $0x2800, s5  }
0x9: {  	s5 =	ssub.s32 $0x2, s5;
	s7 =	sor.u32 s1, s7;
	_ =	strace $0x80000047  }
0xa: {  	s12 =	sshrl.u32 s5, $0x1;
	s31 =	sshrl.u32 s10, $0x2;
	s10 =	simm.s32 $0x1  }
0xb: {  	s7 =	smul.u32 $0x4F0, s7;
	s9 =	sadd.s32 s8, s9;
	s12 =	ssub.s32 s5, s12  }
0xc: {  	s5 =	sadd.s32 s31, s6;
	s6 =	sadd.s32 s8, s6;
	s9 =	sshrl.u32 s9, $0x3  }
0xd: {  	s11 =	sadd.s32 s7, s4;
	s9 =	sadd.s32 s9, s4;
	s3 =	sadd.s32 s3, s7  }
0xe: {  	s4 =	sadd.s32 $0x1800, s11;
	s7 =	sadd.s32 $0xB600, s9;
	s8 =	sadd.s32 $0xC000, s9  }
0xf: {  	v0 =	vimm.f32 $0.0e+00;
	v1 =	vimm.f32 $1.000000000e+00;
	s9 =	smax.u32 s12, $0x1;
	s11 =	simm.s32 $0x2780;
	s12 =	simm.s32 $0x4F00  }
.LBB2_1:
0x10: {  	[tilespmem:s2], [sflag:$0x1] =	stream.linear.gather [hbm4b:s3+s2], $0x2780, $0x38;
	[tilespmem:$0xCE80] =	vst v63  }
0x11: {  	_ =	swait.ge [sflag:s10], $0x2780  }
0x12: {  	[sflag:s10] =	ssyncset.done $0x0  }
0x13: {  	[sflag:s10] =	ssyncadd.s32 $0xFFFFD880  }
0x14: {  	[tilespmem:s11], [sflag:$0x1] =	stream.linear.gather [hbm4b:s4+s2], $0x2780, $0x38;
	[tilespmem:$0xCE80] =	vst v63  }
0x15: {  	_ =	swait.ge [sflag:s10], $0x2780  }
0x16: {  	[sflag:s10] =	ssyncset.done $0x0  }
0x17: {  	s18 =	simm.s32 $0x0;
	[sflag:s10] =	ssyncadd.s32 $0xFFFFD880  }
.LBB2_2:
0x18: {  	p0 =	sne.s32 s18, $0x9FC0  }
.Ltmp0:
0x19: {  	_ = 	snop;
	(pc) =	sbr.rel @p0 .LBB2_2-.Ltmp0, $4  }
0x1a: {  	_ = 	snop  }
0x1b: {  	s19 =	sshra.s32 s18, $0x2  }
0x1c: {  	[tilespmem:s19+$0x4F00] =	vst v0  }
0x1d: {  	s18 =	sadd.s32 $0x40, s18;
	[tilespmem:s19+$0x7700] =	vst v0  }
0x1e: {  	s19 =	simm.s32 $0x0  }
0x1f: {  	s18 =	simm.s32 $0x40;
	v2 =	vld [tilespmem:s19+$0x0]  }
.LBB2_4:
0x20: {  	p0 =	sne.s32 s18, $0x9DC0;
	v3 =	vld [tilespmem:s19+$0x2780];
	_ =	sdelay $0x4  }
.Ltmp1:
0x21: {  	(pc) =	sbr.rel @p0 .LBB2_4-.Ltmp1, $4  }
0x22: {  	_ = 	snop  }
0x23: {  	[tilespmem:v2+s12+$0x0] =	vst.idx.add.f32.msk $0xffff, v1  }
0x24: {  	s19 =	sshra.s32 s18, $0x2;
	[tilespmem:v3+s13+$0x0] =	vst.idx.add.f32.msk $0xffff, v1  }
0x25: {  	s18 =	sadd.s32 $0x40, s18;
	v2 =	vld [tilespmem:s19+$0x0]  }
0x26: {  	_ = 	snop  }
0x27: {  	v3 =	vld [tilespmem:s19+$0x2780];
	_ =	sdelay $0x6  }
0x28: {  	[tilespmem:v2+s12+$0x0] =	vst.idx.add.f32.msk $0xffff, v1  }
0x29: {  	s18 =	simm.s32 $0x1;
	[tilespmem:v3+s13+$0x0] =	vst.idx.add.f32.msk $0xffff, v1  }
0x2a: {  	[spmem:s5] =	stream.linear.scatter [tilespmem:s12], [sflag:$0x1], $0x2800, $0x38;
	[tilespmem:$0xCE80] =	vst v63  }
0x2b: {  	_ =	swait.ge [sflag:s18], $0x2800  }
0x2c: {  	[sflag:s18] =	ssyncset.done $0x0  }
0x2d: {  	[sflag:s18] =	ssyncadd.s32 $0xFFFFD800  }
0x2e: {  	[bflag:$0x0] =	sbarrier.arrive $0xFFFF  }
0x2f: {  	[tilespmem:s14], [sflag:$0x1] =	stream.linear.gather [spmem:s6], $0x280, $0x38;
	[tilespmem:$0xCE80] =	vst v63  }
0x30: {  	_ =	swait.ge [sflag:s18], $0x280  }
0x31: {  	[sflag:s18] =	ssyncset.done $0x0  }
0x32: {  	[sflag:s18] =	ssyncadd.s32 $0xFFFFFD80  }
.LBB2_6:
0x33: {  	s19 =	smul.u32 $0xA000, s18;
	_ =	sdelay $0x1  }
0x34: {  	s19 =	sshra.s32 s19, $0x2  }
0x35: {  	s19 =	sadd.s32 s19, s6  }
0x36: {  	[tilespmem:s15], [sflag:$0x1] =	stream.linear.gather [spmem:s19], $0x280, $0x38;
	[tilespmem:$0xCE80] =	vst v63  }
0x37: {  	_ =	swait.ge [sflag:s10], $0x280  }
0x38: {  	[sflag:s10] =	ssyncset.done $0x0  }
0x39: {  	s19 =	simm.s32 $0x0;
	[sflag:s10] =	ssyncadd.s32 $0xFFFFFD80  }
0x3a: {  	s20 =	simm.s32 $0x40;
	v2 =	vld [tilespmem:s19+$0x9F00]  }
.LBB2_7:
0x3b: {  	p0 =	sne.s32 s20, $0x9C0;
	v3 =	vld [tilespmem:s19+$0xA180];
	_ =	sdelay $0x2  }
.Ltmp2:
0x3c: {  	(pc) =	sbr.rel @p0 .LBB2_7-.Ltmp2, $4  }
0x3d: {  	_ = 	snop  }
0x3e: {  	v3 =	vadd.f32 v2, v3  }
0x3f: {  	s21 =	sshra.s32 s20, $0x2  }
0x40: {  	s20 =	sadd.s32 $0x40, s20;
	v2 =	vld [tilespmem:s21+$0x9F00];
	[tilespmem:s19+$0xA180] =	vst v3;
	s19 =	smov.u32 s21  }
0x41: {  	v3 =	vld [tilespmem:s19+$0xA180]  }
0x42: {  	s18 =	sadd.s32 $0x1, s18  }
0x43: {  	p0 =	sne.s32 s18, $0x10  }
.Ltmp3:
0x44: {  	_ = 	snop;
	(pc) =	sbr.rel @p0 .LBB2_6-.Ltmp3, $3  }
0x45: {  	_ = 	snop  }
0x46: {  	v2 =	vadd.f32 v2, v3;
	_ =	sdelay $0x1  }
0x47: {  	[tilespmem:s19+$0xA180] =	vst v2  }
0x48: {  	[bflag:$0x0] =	sbarrier.arrive $0xFFFF;
	s18 =	simm.s32 $0x1  }
0x49: {  	[spmem:s5] =	stream.linear.scatter [tilespmem:s13], [sflag:$0x1], $0x2800, $0x38;
	[tilespmem:$0xCE80] =	vst v63  }
0x4a: {  	_ =	swait.ge [sflag:s18], $0x2800  }
0x4b: {  	[sflag:s18] =	ssyncset.done $0x0  }
0x4c: {  	[sflag:s18] =	ssyncadd.s32 $0xFFFFD800  }
0x4d: {  	[bflag:$0x0] =	sbarrier.arrive $0xFFFF  }
0x4e: {  	[tilespmem:s16], [sflag:$0x1] =	stream.linear.gather [spmem:s6], $0x280, $0x38;
	[tilespmem:$0xCE80] =	vst v63  }
0x4f: {  	_ =	swait.ge [sflag:s18], $0x280  }
0x50: {  	[sflag:s18] =	ssyncset.done $0x0  }
0x51: {  	[sflag:s18] =	ssyncadd.s32 $0xFFFFFD80  }
.LBB2_10:
0x52: {  	s19 =	smul.u32 $0xA000, s18;
	_ =	sdelay $0x1  }
0x53: {  	s19 =	sshra.s32 s19, $0x2  }
0x54: {  	s19 =	sadd.s32 s19, s6  }
0x55: {  	[tilespmem:s15], [sflag:$0x1] =	stream.linear.gather [spmem:s19], $0x280, $0x38;
	[tilespmem:$0xCE80] =	vst v63  }
0x56: {  	_ =	swait.ge [sflag:s10], $0x280  }
0x57: {  	[sflag:s10] =	ssyncset.done $0x0  }
0x58: {  	s19 =	simm.s32 $0x0;
	[sflag:s10] =	ssyncadd.s32 $0xFFFFFD80  }
0x59: {  	s20 =	simm.s32 $0x40;
	v2 =	vld [tilespmem:s19+$0x9F00]  }
.LBB2_11:
0x5a: {  	p0 =	sne.s32 s20, $0x9C0;
	v3 =	vld [tilespmem:s19+$0xA400];
	_ =	sdelay $0x2  }
.Ltmp4:
0x5b: {  	(pc) =	sbr.rel @p0 .LBB2_11-.Ltmp4, $4  }
0x5c: {  	_ = 	snop  }
0x5d: {  	v3 =	vadd.f32 v2, v3  }
0x5e: {  	s21 =	sshra.s32 s20, $0x2  }
0x5f: {  	s20 =	sadd.s32 $0x40, s20;
	v2 =	vld [tilespmem:s21+$0x9F00];
	[tilespmem:s19+$0xA400] =	vst v3;
	s19 =	smov.u32 s21  }
0x60: {  	v3 =	vld [tilespmem:s19+$0xA400]  }
0x61: {  	s18 =	sadd.s32 $0x1, s18  }
0x62: {  	p0 =	sne.s32 s18, $0x10  }
.Ltmp5:
0x63: {  	_ = 	snop;
	(pc) =	sbr.rel @p0 .LBB2_10-.Ltmp5, $3  }
0x64: {  	_ = 	snop  }
0x65: {  	v2 =	vadd.f32 v2, v3;
	_ =	sdelay $0x1  }
0x66: {  	[tilespmem:s19+$0xA400] =	vst v2  }
0x67: {  	[bflag:$0x0] =	sbarrier.arrive $0xFFFF  }
0x68: {  	[hbm4b:s7+s2] =	stream.linear.scatter [tilespmem:s14], [sflag:$0x1], $0x280, $0x38;
	[tilespmem:$0xCE80] =	vst v63  }
0x69: {  	s17 =	sadd.s32 $0x1, s17;
	_ =	swait.ge [sflag:s10], $0x280  }
0x6a: {  	p0 =	sne.s32 s17, s9;
	[sflag:s10] =	ssyncset.done $0x0  }
.Ltmp6:
0x6b: {  	[sflag:s10] =	ssyncadd.s32 $0xFFFFFD80;
	(pc) =	sbr.rel @p0 .LBB2_1-.Ltmp6, $4  }
0x6c: {  	[hbm4b:s8+s2] =	stream.linear.scatter [tilespmem:s16], [sflag:$0x1], $0x280, $0x38;
	[tilespmem:$0xCE80] =	vst v63  }
0x6d: {  	_ =	swait.ge [sflag:s10], $0x280  }
0x6e: {  	[sflag:s10] =	ssyncset.done $0x0  }
0x6f: {  	[sflag:s10] =	ssyncadd.s32 $0xFFFFFD80  }
0x70: {  	_ =	sfence.sel $0x180000  }
0x71: {  	[bflag:$0x0] =	sbarrier.arrive $0xFFFF  }
0x72: {  	p0 =	sne.s32 s1, $0x0;
	_ =	strace $0x90000047  }
0x73: {  	s0 =	sadd.s32 @!p0 $0x100000, s0;
	[bflag:$0x2] =	sbarrier.arrive $0xFFFF  }
0x74: {  	[sflag:s0] =	ssyncadd.tile.s32 @!p0 $0x1;
	_ =	shalt  }
.Lfunc_end2:
_tile_overlayer_lowered:
.L_overlay_start_2:
0x75: {  	(tag) =	ssettag $0x2  }
0x76: {  	s0 =	rddreg [dreg:$0x0];
	s2 =	stileid.u32  }
0x77: {  	s1 =	rddreg [dreg:$0x1];
	p0 =	sne.s32 s2, $0x0  }
0x78: {  	s3 =	rddreg [dreg:$0x2];
	[bflag:$0x3] =	sbarrier.arrive $0xFFFF;
	s2 =	simm.s32 @!p0 $0x1C01  }
0x79: {  	[timem:s3], [sflag:s2] =	dma.local @!p0 [hbm:s0], s1  }
0x7a: {  	s0 =	simm.s32 @!p0 $0x1  }
0x7b: {  	_ =	swait.ge @!p0 [sflag:s0], s1  }
0x7c: {  	s1 =	ssub.s32 @!p0 $0x0, s1;
	[sflag:s0] =	ssyncset.done @!p0 $0x0  }
0x7d: {  	[sflag:s0] =	ssyncadd.s32 @!p0 s1  }
0x7e: {  	[bflag:$0x3] =	sbarrier.arrive $0xFFFF  }
0x7f: {  	_ =	shalt  }

</sc_bundles>
